<compile_context>
chip_gen: v7x
topology: tpu7x:2x2x1
jax: 0.10.2.dev20260603
libtpu: 0.0.44.dev20260713+nightly
codegen_flags: <defaults>
</compile_context>

<pallas_src>
import functools

import jax
import jax.numpy as jnp
from jax import lax
from jax.experimental import pallas as pl
from jax.experimental.pallas import tpu as pltpu
from jax.experimental.pallas import tpu_sc as plsc

_N = 100000
_D = 64
_B = 1024
_TEMP = 0.05
_NPAD = 102400
_TILE = 8192
_GRID = _NPAD // _TILE

_NC, _NS = 2, 16
_NW = _NC * _NS
_BPW = _B // _NW


def _sc_gather_body(idx_hbm, labels_hbm, feats_hbm, g_hbm, idx_v,
                    tgt_v, rows_v, sem):
    wid = lax.axis_index("s") * _NC + lax.axis_index("c")
    base = wid * _BPW
    pltpu.sync_copy(idx_hbm.at[pl.ds(base, _BPW)], idx_v)
    pltpu.async_copy(labels_hbm.at[idx_v], tgt_v, sem).wait()
    copies = []
    for j in range(_BPW // 16):
        tv = tgt_v[pl.ds(16 * j, 16)]
        for i in range(16):
            copies.append(pltpu.make_async_copy(
                feats_hbm.at[pl.ds(tv[i], 1), :],
                rows_v.at[pl.ds(16 * j + i, 1), :], sem))
    for c in copies:
        c.start()
    for c in copies:
        c.wait()
    pltpu.sync_copy(rows_v, g_hbm.at[pl.ds(base, _BPW)])


@functools.cache
def _sc_gather():
    mesh = plsc.VectorSubcoreMesh(core_axis_name="c", subcore_axis_name="s")
    return pl.kernel(
        _sc_gather_body,
        out_type=jax.ShapeDtypeStruct((_B, _D), jnp.float32),
        mesh=mesh,
        scratch_types=[
            pltpu.VMEM((_BPW,), jnp.int32),
            pltpu.VMEM((_BPW,), jnp.int32),
            pltpu.VMEM((_BPW, _D), jnp.float32),
            pltpu.SemaphoreType.DMA,
        ],
    )


def _tc_body(x_ref, f_ref, g_ref, out_ref, xb_ref, z_ref, pick_ref):
    k = pl.program_id(0)

    @pl.when(k == 0)
    def _init():
        x = x_ref[...]
        n = jnp.sqrt(jnp.sum(x * x, axis=1, keepdims=True))
        xn = x / jnp.maximum(n, 1e-12)
        xb_ref[...] = (xn * (1.0 / _TEMP)).astype(jnp.bfloat16)
        pick_ref[...] = jnp.sum(xn * g_ref[...], axis=1,
                                keepdims=True) * (1.0 / _TEMP)
        z_ref[...] = jnp.zeros_like(z_ref)

    logits = lax.dot_general(
        xb_ref[...], f_ref[...],
        dimension_numbers=(((1,), (0,)), ((), ())),
        preferred_element_type=jnp.float32)
    z_ref[...] += jnp.sum(jnp.exp(logits), axis=1, keepdims=True)

    @pl.when(k == _GRID - 1)
    def _fin():
        per = jnp.log(z_ref[...] - float(_NPAD - _N)) - pick_ref[...]
        out_ref[...] = (jnp.sum(per) / _B).reshape(1, 1)


_tc_call = pl.pallas_call(
    _tc_body,
    grid=(_GRID,),
    in_specs=[
        pl.BlockSpec((_B, _D), lambda k: (0, 0)),
        pl.BlockSpec((_D, _TILE), lambda k: (0, k)),
        pl.BlockSpec((_B, _D), lambda k: (0, 0)),
    ],
    out_specs=pl.BlockSpec((1, 1), lambda k: (0, 0)),
    out_shape=jax.ShapeDtypeStruct((1, 1), jnp.float32),
    scratch_shapes=[
        pltpu.VMEM((_B, _D), jnp.bfloat16),
        pltpu.VMEM((_B, 1), jnp.float32),
        pltpu.VMEM((_B, 1), jnp.float32),
    ],
)


def kernel(inputs, indexes, features, labels):
    ftb = jnp.pad(features.T.astype(jnp.bfloat16), ((0, 0), (0, _NPAD - _N)))
    g = _sc_gather()(indexes.astype(jnp.int32), labels.astype(jnp.int32),
                     features)
    out = _tc_call(inputs, ftb, g)
    return out[0, 0]

# --- scband reference (transcript-rebuilt; emitter-appended) ---
"""Pipeline reference for scband-cluster-memory-8186207666552 (READ-ONLY COPY).

The authoritative reference and input builder live on the scoring server;
editing this copy changes nothing except your own understanding.
"""

import jax, jax.numpy as jnp
import numpy as np

NUM_SAMPLES = 100000
NUM_FEATURES = 64
BATCH = 1024
TEMP = 0.05


def _l2_normalize(x, axis=1, eps=1e-12):
    n = jnp.linalg.norm(x, axis=axis, keepdims=True)
    return x / jnp.clip(n, eps, None)


def setup_inputs(seed: int = 0) -> dict:
    key = jax.random.key(seed)
    k1, k2, k3, k4 = jax.random.split(key, 4)
    inputs = jax.random.normal(k1, (BATCH, NUM_FEATURES), dtype=jnp.float32)
    indexes = jax.random.randint(k2, (BATCH,), 0, NUM_SAMPLES, dtype=jnp.int64 if jax.config.jax_enable_x64 else jnp.int32)
    # memory bank buffer 'features' (cluster centroids). The torch module registers it as a
    # zero buffer filled via _update_feature with L2-normalized features; emulate a
    # populated, row-normalized bank here.
    feats = jax.random.normal(k3, (NUM_SAMPLES, NUM_FEATURES), dtype=jnp.float32)
    features = _l2_normalize(feats, axis=1)
    # 'labels' buffer: pseudo-label id per bank row, in [0, NUM_SAMPLES)
    labels = jax.random.randint(k4, (NUM_SAMPLES,), 0, NUM_SAMPLES, dtype=jnp.int64 if jax.config.jax_enable_x64 else jnp.int32)
    return {"inputs": inputs, "indexes": indexes, "features": features, "labels": labels}


def reference(inputs, indexes, features, labels):
    # ClusterMemory.forward
    x = _l2_normalize(inputs, axis=1)              # F.normalize(inputs, dim=1)
    targets = jnp.take(labels, indexes, axis=0)    # self.labels[indexes]  (gather)
    outputs = x @ features.T                       # CM.forward: inputs.mm(features.t())
    outputs = outputs / TEMP                       # outputs /= self.temp
    # F.cross_entropy(outputs, targets)
    logz = jax.nn.logsumexp(outputs, axis=1)
    picked = jnp.take_along_axis(outputs, targets[:, None].astype(jnp.int32), axis=1)[:, 0]
    loss = jnp.mean(logz - picked)
    return loss

if __name__ == "__main__":
    import jax
    _d = setup_inputs()
    print(jax.jit(kernel)(*tuple(_d.values())))

</pallas_src>

<mosaic_0001>
#map = affine_map<(d0, d1) -> (0)>
#map1 = affine_map<(d0, d1) -> (0, 0)>
module attributes {stable_mosaic.version = 14 : i64} {
  func.func @_sc_gather_body(%arg0: i32, %arg1: i32, %arg2: memref<1024xi32, #tpu.memory_space<hbm>>, %arg3: memref<100000xi32, #tpu.memory_space<hbm>>, %arg4: memref<100000x64xf32, #tpu.memory_space<hbm>>, %arg5: memref<1024x64xf32, #tpu.memory_space<hbm>>, %arg6: memref<32xi32, #tpu.memory_space<vmem>>, %arg7: memref<32xi32, #tpu.memory_space<vmem>>, %arg8: memref<32x64xf32, #tpu.memory_space<vmem>>, %arg9: memref<!tpu.dma_semaphore, #tpu.memory_space<semaphore_mem>>) attributes {dimension_semantics = [#tpu.dimension_semantics<core_parallel>, #tpu.dimension_semantics<subcore_parallel>], iteration_bounds = array<i64: 2, 16>, scalar_prefetch = 0 : i64, scratch_operands = 4 : i64, tpu.core_type = #tpu.core_type<sc_vector_subcore>, window_params = [{transform_indices = #map}, {transform_indices = #map}, {transform_indices = #map1}, {transform_indices = #map1}]} {
    %mul3A = arith.constant 2 : i32
    %mul3A_0 = arith.muli %arg1, %mul3A : i32
    %add3A = arith.addi %mul3A_0, %arg0 : i32
    %mul3A_1 = arith.constant 32 : i32
    %mul3A_2 = arith.muli %add3A, %mul3A_1 : i32
    "tpu.region"() ({
      %run_scoped3A = tpu.sem_alloc : memref<!tpu.dma_semaphore, #tpu.memory_space<semaphore_mem>>
      %dma_start3A_712 = tpu.memref_slice %arg2[%mul3A_2] : memref<1024xi32, #tpu.memory_space<hbm>> -> memref<32xi32, #tpu.memory_space<hbm>>
      %dma_start3A_713 = tpu.memref_slice %arg2[%mul3A_2] : memref<1024xi32, #tpu.memory_space<hbm>> -> memref<32xi32, #tpu.memory_space<hbm>>
      tpu.enqueue_dma source(%dma_start3A_713 : memref<32xi32, #tpu.memory_space<hbm>>) target(%arg6 : memref<32xi32, #tpu.memory_space<vmem>>) target_semaphore(%run_scoped3A : memref<!tpu.dma_semaphore, #tpu.memory_space<semaphore_mem>>)
      %dma_wait3A_714 = tpu.memref_slice %arg2[%mul3A_2] : memref<1024xi32, #tpu.memory_space<hbm>> -> memref<32xi32, #tpu.memory_space<hbm>>
      %dma_wait3A_715 = tpu.memref_slice %arg2[%mul3A_2] : memref<1024xi32, #tpu.memory_space<hbm>> -> memref<32xi32, #tpu.memory_space<hbm>>
      tpu.wait_dma2 semaphore(%run_scoped3A : memref<!tpu.dma_semaphore, #tpu.memory_space<semaphore_mem>>) src(%dma_wait3A_715 : memref<32xi32, #tpu.memory_space<hbm>>) dst(%arg6 : memref<32xi32, #tpu.memory_space<vmem>>)
      tpu.yield
    }) : () -> ()
    %dma_start3A = arith.constant 0 : i32
    %dma_start3A_3 = tpu.memref_slice %arg3[%dma_start3A] : memref<100000xi32, #tpu.memory_space<hbm>> -> memref<100000xi32, #tpu.memory_space<hbm>>
    tpu.enqueue_indirect_dma source(%dma_start3A_3 : memref<100000xi32, #tpu.memory_space<hbm>>) target(%arg7 : memref<32xi32, #tpu.memory_space<vmem>>) offsets(%arg6 : memref<32xi32, #tpu.memory_space<vmem>>) semaphore(%arg9 : memref<!tpu.dma_semaphore, #tpu.memory_space<semaphore_mem>>)
    %dma_wait3A = arith.constant 0 : i32
    %dma_wait3A_4 = tpu.memref_slice %arg3[%dma_wait3A] : memref<100000xi32, #tpu.memory_space<hbm>> -> memref<100000xi32, #tpu.memory_space<hbm>>
    tpu.wait_indirect_dma semaphore(%arg9 : memref<!tpu.dma_semaphore, #tpu.memory_space<semaphore_mem>>) src(%dma_wait3A_4 : memref<100000xi32, #tpu.memory_space<hbm>>) dst(%arg7 : memref<32xi32, #tpu.memory_space<vmem>>)
    %get3A = arith.constant 0 : index
    %get3A_5 = tpu.vector_load %arg7[%get3A] {strides = array<i32>} : memref<32xi32, #tpu.memory_space<vmem>>, vector<16xi32>,
    %get3A_6 = vector.shape_cast %get3A_5 : vector<16xi32> to vector<16xi32>
    %slice3A = vector.extract_strided_slice %get3A_6 {offsets = [0], sizes = [1], strides = [1]} : vector<16xi32> to vector<1xi32>
    %squeeze3A = vector.extract %slice3A[0] : i32 from vector<1xi32>
    %slice3A_7 = vector.extract_strided_slice %get3A_6 {offsets = [1], sizes = [1], strides = [1]} : vector<16xi32> to vector<1xi32>
    %squeeze3A_8 = vector.extract %slice3A_7[0] : i32 from vector<1xi32>
    %slice3A_9 = vector.extract_strided_slice %get3A_6 {offsets = [2], sizes = [1], strides = [1]} : vector<16xi32> to vector<1xi32>
    %squeeze3A_10 = vector.extract %slice3A_9[0] : i32 from vector<1xi32>
    %slice3A_11 = vector.extract_strided_slice %get3A_6 {offsets = [3], sizes = [1], strides = [1]} : vector<16xi32> to vector<1xi32>
    %squeeze3A_12 = vector.extract %slice3A_11[0] : i32 from vector<1xi32>
    %slice3A_13 = vector.extract_strided_slice %get3A_6 {offsets = [4], sizes = [1], strides = [1]} : vector<16xi32> to vector<1xi32>
    %squeeze3A_14 = vector.extract %slice3A_13[0] : i32 from vector<1xi32>
    %slice3A_15 = vector.extract_strided_slice %get3A_6 {offsets = [5], sizes = [1], strides = [1]} : vector<16xi32> to vector<1xi32>
    %squeeze3A_16 = vector.extract %slice3A_15[0] : i32 from vector<1xi32>
    %slice3A_17 = vector.extract_strided_slice %get3A_6 {offsets = [6], sizes = [1], strides = [1]} : vector<16xi32> to vector<1xi32>
    %squeeze3A_18 = vector.extract %slice3A_17[0] : i32 from vector<1xi32>
    %slice3A_19 = vector.extract_strided_slice %get3A_6 {offsets = [7], sizes = [1], strides = [1]} : vector<16xi32> to vector<1xi32>
    %squeeze3A_20 = vector.extract %slice3A_19[0] : i32 from vector<1xi32>
    %slice3A_21 = vector.extract_strided_slice %get3A_6 {offsets = [8], sizes = [1], strides = [1]} : vector<16xi32> to vector<1xi32>
    %squeeze3A_22 = vector.extract %slice3A_21[0] : i32 from vector<1xi32>
    %slice3A_23 = vector.extract_strided_slice %get3A_6 {offsets = [9], sizes = [1], strides = [1]} : vector<16xi32> to vector<1xi32>
    %squeeze3A_24 = vector.extract %slice3A_23[0] : i32 from vector<1xi32>
    %slice3A_25 = vector.extract_strided_slice %get3A_6 {offsets = [10], sizes = [1], strides = [1]} : vector<16xi32> to vector<1xi32>
    %squeeze3A_26 = vector.extract %slice3A_25[0] : i32 from vector<1xi32>
    %slice3A_27 = vector.extract_strided_slice %get3A_6 {offsets = [11], sizes = [1], strides = [1]} : vector<16xi32> to vector<1xi32>
    %squeeze3A_28 = vector.extract %slice3A_27[0] : i32 from vector<1xi32>
    %slice3A_29 = vector.extract_strided_slice %get3A_6 {offsets = [12], sizes = [1], strides = [1]} : vector<16xi32> to vector<1xi32>
    %squeeze3A_30 = vector.extract %slice3A_29[0] : i32 from vector<1xi32>
    %slice3A_31 = vector.extract_strided_slice %get3A_6 {offsets = [13], sizes = [1], strides = [1]} : vector<16xi32> to vector<1xi32>
    %squeeze3A_32 = vector.extract %slice3A_31[0] : i32 from vector<1xi32>
    %slice3A_33 = vector.extract_strided_slice %get3A_6 {offsets = [14], sizes = [1], strides = [1]} : vector<16xi32> to vector<1xi32>
    %squeeze3A_34 = vector.extract %slice3A_33[0] : i32 from vector<1xi32>
    %slice3A_35 = vector.extract_strided_slice %get3A_6 {offsets = [15], sizes = [1], strides = [1]} : vector<16xi32> to vector<1xi32>
    %squeeze3A_36 = vector.extract %slice3A_35[0] : i32 from vector<1xi32>
    %get3A_37 = arith.constant 16 : index
    %get3A_38 = tpu.vector_load %arg7[%get3A_37] {strides = array<i32>} : memref<32xi32, #tpu.memory_space<vmem>>, vector<16xi32>,
    %get3A_39 = vector.shape_cast %get3A_38 : vector<16xi32> to vector<16xi32>
    %slice3A_40 = vector.extract_strided_slice %get3A_39 {offsets = [0], sizes = [1], strides = [1]} : vector<16xi32> to vector<1xi32>
    %squeeze3A_41 = vector.extract %slice3A_40[0] : i32 from vector<1xi32>
    %slice3A_42 = vector.extract_strided_slice %get3A_39 {offsets = [1], sizes = [1], strides = [1]} : vector<16xi32> to vector<1xi32>
    %squeeze3A_43 = vector.extract %slice3A_42[0] : i32 from vector<1xi32>
    %slice3A_44 = vector.extract_strided_slice %get3A_39 {offsets = [2], sizes = [1], strides = [1]} : vector<16xi32> to vector<1xi32>
    %squeeze3A_45 = vector.extract %slice3A_44[0] : i32 from vector<1xi32>
    %slice3A_46 = vector.extract_strided_slice %get3A_39 {offsets = [3], sizes = [1], strides = [1]} : vector<16xi32> to vector<1xi32>
    %squeeze3A_47 = vector.extract %slice3A_46[0] : i32 from vector<1xi32>
    %slice3A_48 = vector.extract_strided_slice %get3A_39 {offsets = [4], sizes = [1], strides = [1]} : vector<16xi32> to vector<1xi32>
    %squeeze3A_49 = vector.extract %slice3A_48[0] : i32 from vector<1xi32>
    %slice3A_50 = vector.extract_strided_slice %get3A_39 {offsets = [5], sizes = [1], strides = [1]} : vector<16xi32> to vector<1xi32>
    %squeeze3A_51 = vector.extract %slice3A_50[0] : i32 from vector<1xi32>
    %slice3A_52 = vector.extract_strided_slice %get3A_39 {offsets = [6], sizes = [1], strides = [1]} : vector<16xi32> to vector<1xi32>
    %squeeze3A_53 = vector.extract %slice3A_52[0] : i32 from vector<1xi32>
    %slice3A_54 = vector.extract_strided_slice %get3A_39 {offsets = [7], sizes = [1], strides = [1]} : vector<16xi32> to vector<1xi32>
    %squeeze3A_55 = vector.extract %slice3A_54[0] : i32 from vector<1xi32>
    %slice3A_56 = vector.extract_strided_slice %get3A_39 {offsets = [8], sizes = [1], strides = [1]} : vector<16xi32> to vector<1xi32>
    %squeeze3A_57 = vector.extract %slice3A_56[0] : i32 from vector<1xi32>
    %slice3A_58 = vector.extract_strided_slice %get3A_39 {offsets = [9], sizes = [1], strides = [1]} : vector<16xi32> to vector<1xi32>
    %squeeze3A_59 = vector.extract %slice3A_58[0] : i32 from vector<1xi32>
    %slice3A_60 = vector.extract_strided_slice %get3A_39 {offsets = [10], sizes = [1], strides = [1]} : vector<16xi32> to vector<1xi32>
    %squeeze3A_61 = vector.extract %slice3A_60[0] : i32 from vector<1xi32>
    %slice3A_62 = vector.extract_strided_slice %get3A_39 {offsets = [11], sizes = [1], strides = [1]} : vector<16xi32> to vector<1xi32>
    %squeeze3A_63 = vector.extract %slice3A_62[0] : i32 from vector<1xi32>
    %slice3A_64 = vector.extract_strided_slice %get3A_39 {offsets = [12], sizes = [1], strides = [1]} : vector<16xi32> to vector<1xi32>
    %squeeze3A_65 = vector.extract %slice3A_64[0] : i32 from vector<1xi32>
    %slice3A_66 = vector.extract_strided_slice %get3A_39 {offsets = [13], sizes = [1], strides = [1]} : vector<16xi32> to vector<1xi32>
    %squeeze3A_67 = vector.extract %slice3A_66[0] : i32 from vector<1xi32>
    %slice3A_68 = vector.extract_strided_slice %get3A_39 {offsets = [14], sizes = [1], strides = [1]} : vector<16xi32> to vector<1xi32>
    %squeeze3A_69 = vector.extract %slice3A_68[0] : i32 from vector<1xi32>
    %slice3A_70 = vector.extract_strided_slice %get3A_39 {offsets = [15], sizes = [1], strides = [1]} : vector<16xi32> to vector<1xi32>
    %squeeze3A_71 = vector.extract %slice3A_70[0] : i32 from vector<1xi32>
    %dma_start3A_72 = arith.constant 0 : i32
    %dma_start3A_73 = arith.constant 0 : i32
    %dma_start3A_74 = tpu.memref_slice %arg8[%dma_start3A_72, %dma_start3A_73] : memref<32x64xf32, #tpu.memory_space<vmem>> -> memref<1x64xf32, #tpu.memory_space<vmem>>
    %dma_start3A_75 = arith.constant 0 : i32
    %dma_start3A_76 = tpu.memref_slice %arg4[%squeeze3A, %dma_start3A_75] : memref<100000x64xf32, #tpu.memory_space<hbm>> -> memref<1x64xf32, #tpu.memory_space<hbm>>
    %dma_start3A_77 = arith.constant 0 : i32
    %dma_start3A_78 = arith.constant 0 : i32
    %dma_start3A_79 = tpu.memref_slice %arg8[%dma_start3A_77, %dma_start3A_78] : memref<32x64xf32, #tpu.memory_space<vmem>> -> memref<1x64xf32, #tpu.memory_space<vmem>>
    %dma_start3A_80 = arith.constant 0 : i32
    %dma_start3A_81 = tpu.memref_slice %arg4[%squeeze3A, %dma_start3A_80] : memref<100000x64xf32, #tpu.memory_space<hbm>> -> memref<1x64xf32, #tpu.memory_space<hbm>>
    tpu.enqueue_dma source(%dma_start3A_81 : memref<1x64xf32, #tpu.memory_space<hbm>>) target(%dma_start3A_79 : memref<1x64xf32, #tpu.memory_space<vmem>>) target_semaphore(%arg9 : memref<!tpu.dma_semaphore, #tpu.memory_space<semaphore_mem>>)
    %dma_start3A_82 = arith.constant 1 : i32
    %dma_start3A_83 = arith.constant 0 : i32
    %dma_start3A_84 = tpu.memref_slice %arg8[%dma_start3A_82, %dma_start3A_83] : memref<32x64xf32, #tpu.memory_space<vmem>> -> memref<1x64xf32, #tpu.memory_space<vmem>>
    %dma_start3A_85 = arith.constant 0 : i32
    %dma_start3A_86 = tpu.memref_slice %arg4[%squeeze3A_8, %dma_start3A_85] : memref<100000x64xf32, #tpu.memory_space<hbm>> -> memref<1x64xf32, #tpu.memory_space<hbm>>
    %dma_start3A_87 = arith.constant 1 : i32
    %dma_start3A_88 = arith.constant 0 : i32
    %dma_start3A_89 = tpu.memref_slice %arg8[%dma_start3A_87, %dma_start3A_88] : memref<32x64xf32, #tpu.memory_space<vmem>> -> memref<1x64xf32, #tpu.memory_space<vmem>>
    %dma_start3A_90 = arith.constant 0 : i32
    %dma_start3A_91 = tpu.memref_slice %arg4[%squeeze3A_8, %dma_start3A_90] : memref<100000x64xf32, #tpu.memory_space<hbm>> -> memref<1x64xf32, #tpu.memory_space<hbm>>
    tpu.enqueue_dma source(%dma_start3A_91 : memref<1x64xf32, #tpu.memory_space<hbm>>) target(%dma_start3A_89 : memref<1x64xf32, #tpu.memory_space<vmem>>) target_semaphore(%arg9 : memref<!tpu.dma_semaphore, #tpu.memory_space<semaphore_mem>>)
    %dma_start3A_92 = arith.constant 2 : i32
    %dma_start3A_93 = arith.constant 0 : i32
    %dma_start3A_94 = tpu.memref_slice %arg8[%dma_start3A_92, %dma_start3A_93] : memref<32x64xf32, #tpu.memory_space<vmem>> -> memref<1x64xf32, #tpu.memory_space<vmem>>
    %dma_start3A_95 = arith.constant 0 : i32
    %dma_start3A_96 = tpu.memref_slice %arg4[%squeeze3A_10, %dma_start3A_95] : memref<100000x64xf32, #tpu.memory_space<hbm>> -> memref<1x64xf32, #tpu.memory_space<hbm>>
    %dma_start3A_97 = arith.constant 2 : i32
    %dma_start3A_98 = arith.constant 0 : i32
    %dma_start3A_99 = tpu.memref_slice %arg8[%dma_start3A_97, %dma_start3A_98] : memref<32x64xf32, #tpu.memory_space<vmem>> -> memref<1x64xf32, #tpu.memory_space<vmem>>
    %dma_start3A_100 = arith.constant 0 : i32
    %dma_start3A_101 = tpu.memref_slice %arg4[%squeeze3A_10, %dma_start3A_100] : memref<100000x64xf32, #tpu.memory_space<hbm>> -> memref<1x64xf32, #tpu.memory_space<hbm>>
    tpu.enqueue_dma source(%dma_start3A_101 : memref<1x64xf32, #tpu.memory_space<hbm>>) target(%dma_start3A_99 : memref<1x64xf32, #tpu.memory_space<vmem>>) target_semaphore(%arg9 : memref<!tpu.dma_semaphore, #tpu.memory_space<semaphore_mem>>)
    %dma_start3A_102 = arith.constant 3 : i32
    %dma_start3A_103 = arith.constant 0 : i32
    %dma_start3A_104 = tpu.memref_slice %arg8[%dma_start3A_102, %dma_start3A_103] : memref<32x64xf32, #tpu.memory_space<vmem>> -> memref<1x64xf32, #tpu.memory_space<vmem>>
    %dma_start3A_105 = arith.constant 0 : i32
    %dma_start3A_106 = tpu.memref_slice %arg4[%squeeze3A_12, %dma_start3A_105] : memref<100000x64xf32, #tpu.memory_space<hbm>> -> memref<1x64xf32, #tpu.memory_space<hbm>>
    %dma_start3A_107 = arith.constant 3 : i32
    %dma_start3A_108 = arith.constant 0 : i32
    %dma_start3A_109 = tpu.memref_slice %arg8[%dma_start3A_107, %dma_start3A_108] : memref<32x64xf32, #tpu.memory_space<vmem>> -> memref<1x64xf32, #tpu.memory_space<vmem>>
    %dma_start3A_110 = arith.constant 0 : i32
    %dma_start3A_111 = tpu.memref_slice %arg4[%squeeze3A_12, %dma_start3A_110] : memref<100000x64xf32, #tpu.memory_space<hbm>> -> memref<1x64xf32, #tpu.memory_space<hbm>>
    tpu.enqueue_dma source(%dma_start3A_111 : memref<1x64xf32, #tpu.memory_space<hbm>>) target(%dma_start3A_109 : memref<1x64xf32, #tpu.memory_space<vmem>>) target_semaphore(%arg9 : memref<!tpu.dma_semaphore, #tpu.memory_space<semaphore_mem>>)
    %dma_start3A_112 = arith.constant 4 : i32
    %dma_start3A_113 = arith.constant 0 : i32
    %dma_start3A_114 = tpu.memref_slice %arg8[%dma_start3A_112, %dma_start3A_113] : memref<32x64xf32, #tpu.memory_space<vmem>> -> memref<1x64xf32, #tpu.memory_space<vmem>>
    %dma_start3A_115 = arith.constant 0 : i32
    %dma_start3A_116 = tpu.memref_slice %arg4[%squeeze3A_14, %dma_start3A_115] : memref<100000x64xf32, #tpu.memory_space<hbm>> -> memref<1x64xf32, #tpu.memory_space<hbm>>
    %dma_start3A_117 = arith.constant 4 : i32
    %dma_start3A_118 = arith.constant 0 : i32
    %dma_start3A_119 = tpu.memref_slice %arg8[%dma_start3A_117, %dma_start3A_118] : memref<32x64xf32, #tpu.memory_space<vmem>> -> memref<1x64xf32, #tpu.memory_space<vmem>>
    %dma_start3A_120 = arith.constant 0 : i32
    %dma_start3A_121 = tpu.memref_slice %arg4[%squeeze3A_14, %dma_start3A_120] : memref<100000x64xf32, #tpu.memory_space<hbm>> -> memref<1x64xf32, #tpu.memory_space<hbm>>
    tpu.enqueue_dma source(%dma_start3A_121 : memref<1x64xf32, #tpu.memory_space<hbm>>) target(%dma_start3A_119 : memref<1x64xf32, #tpu.memory_space<vmem>>) target_semaphore(%arg9 : memref<!tpu.dma_semaphore, #tpu.memory_space<semaphore_mem>>)
    %dma_start3A_122 = arith.constant 5 : i32
    %dma_start3A_123 = arith.constant 0 : i32
    %dma_start3A_124 = tpu.memref_slice %arg8[%dma_start3A_122, %dma_start3A_123] : memref<32x64xf32, #tpu.memory_space<vmem>> -> memref<1x64xf32, #tpu.memory_space<vmem>>
    %dma_start3A_125 = arith.constant 0 : i32
    %dma_start3A_126 = tpu.memref_slice %arg4[%squeeze3A_16, %dma_start3A_125] : memref<100000x64xf32, #tpu.memory_space<hbm>> -> memref<1x64xf32, #tpu.memory_space<hbm>>
    %dma_start3A_127 = arith.constant 5 : i32
    %dma_start3A_128 = arith.constant 0 : i32
    %dma_start3A_129 = tpu.memref_slice %arg8[%dma_start3A_127, %dma_start3A_128] : memref<32x64xf32, #tpu.memory_space<vmem>> -> memref<1x64xf32, #tpu.memory_space<vmem>>
    %dma_start3A_130 = arith.constant 0 : i32
    %dma_start3A_131 = tpu.memref_slice %arg4[%squeeze3A_16, %dma_start3A_130] : memref<100000x64xf32, #tpu.memory_space<hbm>> -> memref<1x64xf32, #tpu.memory_space<hbm>>
    tpu.enqueue_dma source(%dma_start3A_131 : memref<1x64xf32, #tpu.memory_space<hbm>>) target(%dma_start3A_129 : memref<1x64xf32, #tpu.memory_space<vmem>>) target_semaphore(%arg9 : memref<!tpu.dma_semaphore, #tpu.memory_space<semaphore_mem>>)
    %dma_start3A_132 = arith.constant 6 : i32
    %dma_start3A_133 = arith.constant 0 : i32
    %dma_start3A_134 = tpu.memref_slice %arg8[%dma_start3A_132, %dma_start3A_133] : memref<32x64xf32, #tpu.memory_space<vmem>> -> memref<1x64xf32, #tpu.memory_space<vmem>>
    %dma_start3A_135 = arith.constant 0 : i32
    %dma_start3A_136 = tpu.memref_slice %arg4[%squeeze3A_18, %dma_start3A_135] : memref<100000x64xf32, #tpu.memory_space<hbm>> -> memref<1x64xf32, #tpu.memory_space<hbm>>
    %dma_start3A_137 = arith.constant 6 : i32
    %dma_start3A_138 = arith.constant 0 : i32
    %dma_start3A_139 = tpu.memref_slice %arg8[%dma_start3A_137, %dma_start3A_138] : memref<32x64xf32, #tpu.memory_space<vmem>> -> memref<1x64xf32, #tpu.memory_space<vmem>>
    %dma_start3A_140 = arith.constant 0 : i32
    %dma_start3A_141 = tpu.memref_slice %arg4[%squeeze3A_18, %dma_start3A_140] : memref<100000x64xf32, #tpu.memory_space<hbm>> -> memref<1x64xf32, #tpu.memory_space<hbm>>
    tpu.enqueue_dma source(%dma_start3A_141 : memref<1x64xf32, #tpu.memory_space<hbm>>) target(%dma_start3A_139 : memref<1x64xf32, #tpu.memory_space<vmem>>) target_semaphore(%arg9 : memref<!tpu.dma_semaphore, #tpu.memory_space<semaphore_mem>>)
    %dma_start3A_142 = arith.constant 7 : i32
    %dma_start3A_143 = arith.constant 0 : i32
    %dma_start3A_144 = tpu.memref_slice %arg8[%dma_start3A_142, %dma_start3A_143] : memref<32x64xf32, #tpu.memory_space<vmem>> -> memref<1x64xf32, #tpu.memory_space<vmem>>
    %dma_start3A_145 = arith.constant 0 : i32
    %dma_start3A_146 = tpu.memref_slice %arg4[%squeeze3A_20, %dma_start3A_145] : memref<100000x64xf32, #tpu.memory_space<hbm>> -> memref<1x64xf32, #tpu.memory_space<hbm>>
    %dma_start3A_147 = arith.constant 7 : i32
    %dma_start3A_148 = arith.constant 0 : i32
    %dma_start3A_149 = tpu.memref_slice %arg8[%dma_start3A_147, %dma_start3A_148] : memref<32x64xf32, #tpu.memory_space<vmem>> -> memref<1x64xf32, #tpu.memory_space<vmem>>
    %dma_start3A_150 = arith.constant 0 : i32
    %dma_start3A_151 = tpu.memref_slice %arg4[%squeeze3A_20, %dma_start3A_150] : memref<100000x64xf32, #tpu.memory_space<hbm>> -> memref<1x64xf32, #tpu.memory_space<hbm>>
    tpu.enqueue_dma source(%dma_start3A_151 : memref<1x64xf32, #tpu.memory_space<hbm>>) target(%dma_start3A_149 : memref<1x64xf32, #tpu.memory_space<vmem>>) target_semaphore(%arg9 : memref<!tpu.dma_semaphore, #tpu.memory_space<semaphore_mem>>)
    %dma_start3A_152 = arith.constant 8 : i32
    %dma_start3A_153 = arith.constant 0 : i32
    %dma_start3A_154 = tpu.memref_slice %arg8[%dma_start3A_152, %dma_start3A_153] : memref<32x64xf32, #tpu.memory_space<vmem>> -> memref<1x64xf32, #tpu.memory_space<vmem>>
    %dma_start3A_155 = arith.constant 0 : i32
    %dma_start3A_156 = tpu.memref_slice %arg4[%squeeze3A_22, %dma_start3A_155] : memref<100000x64xf32, #tpu.memory_space<hbm>> -> memref<1x64xf32, #tpu.memory_space<hbm>>
    %dma_start3A_157 = arith.constant 8 : i32
    %dma_start3A_158 = arith.constant 0 : i32
    %dma_start3A_159 = tpu.memref_slice %arg8[%dma_start3A_157, %dma_start3A_158] : memref<32x64xf32, #tpu.memory_space<vmem>> -> memref<1x64xf32, #tpu.memory_space<vmem>>
    %dma_start3A_160 = arith.constant 0 : i32
    %dma_start3A_161 = tpu.memref_slice %arg4[%squeeze3A_22, %dma_start3A_160] : memref<100000x64xf32, #tpu.memory_space<hbm>> -> memref<1x64xf32, #tpu.memory_space<hbm>>
    tpu.enqueue_dma source(%dma_start3A_161 : memref<1x64xf32, #tpu.memory_space<hbm>>) target(%dma_start3A_159 : memref<1x64xf32, #tpu.memory_space<vmem>>) target_semaphore(%arg9 : memref<!tpu.dma_semaphore, #tpu.memory_space<semaphore_mem>>)
    %dma_start3A_162 = arith.constant 9 : i32
    %dma_start3A_163 = arith.constant 0 : i32
    %dma_start3A_164 = tpu.memref_slice %arg8[%dma_start3A_162, %dma_start3A_163] : memref<32x64xf32, #tpu.memory_space<vmem>> -> memref<1x64xf32, #tpu.memory_space<vmem>>
    %dma_start3A_165 = arith.constant 0 : i32
    %dma_start3A_166 = tpu.memref_slice %arg4[%squeeze3A_24, %dma_start3A_165] : memref<100000x64xf32, #tpu.memory_space<hbm>> -> memref<1x64xf32, #tpu.memory_space<hbm>>
    %dma_start3A_167 = arith.constant 9 : i32
    %dma_start3A_168 = arith.constant 0 : i32
    %dma_start3A_169 = tpu.memref_slice %arg8[%dma_start3A_167, %dma_start3A_168] : memref<32x64xf32, #tpu.memory_space<vmem>> -> memref<1x64xf32, #tpu.memory_space<vmem>>
    %dma_start3A_170 = arith.constant 0 : i32
    %dma_start3A_171 = tpu.memref_slice %arg4[%squeeze3A_24, %dma_start3A_170] : memref<100000x64xf32, #tpu.memory_space<hbm>> -> memref<1x64xf32, #tpu.memory_space<hbm>>
    tpu.enqueue_dma source(%dma_start3A_171 : memref<1x64xf32, #tpu.memory_space<hbm>>) target(%dma_start3A_169 : memref<1x64xf32, #tpu.memory_space<vmem>>) target_semaphore(%arg9 : memref<!tpu.dma_semaphore, #tpu.memory_space<semaphore_mem>>)
    %dma_start3A_172 = arith.constant 10 : i32
    %dma_start3A_173 = arith.constant 0 : i32
    %dma_start3A_174 = tpu.memref_slice %arg8[%dma_start3A_172, %dma_start3A_173] : memref<32x64xf32, #tpu.memory_space<vmem>> -> memref<1x64xf32, #tpu.memory_space<vmem>>
    %dma_start3A_175 = arith.constant 0 : i32
    %dma_start3A_176 = tpu.memref_slice %arg4[%squeeze3A_26, %dma_start3A_175] : memref<100000x64xf32, #tpu.memory_space<hbm>> -> memref<1x64xf32, #tpu.memory_space<hbm>>
    %dma_start3A_177 = arith.constant 10 : i32
    %dma_start3A_178 = arith.constant 0 : i32
    %dma_start3A_179 = tpu.memref_slice %arg8[%dma_start3A_177, %dma_start3A_178] : memref<32x64xf32, #tpu.memory_space<vmem>> -> memref<1x64xf32, #tpu.memory_space<vmem>>
    %dma_start3A_180 = arith.constant 0 : i32
    %dma_start3A_181 = tpu.memref_slice %arg4[%squeeze3A_26, %dma_start3A_180] : memref<100000x64xf32, #tpu.memory_space<hbm>> -> memref<1x64xf32, #tpu.memory_space<hbm>>
    tpu.enqueue_dma source(%dma_start3A_181 : memref<1x64xf32, #tpu.memory_space<hbm>>) target(%dma_start3A_179 : memref<1x64xf32, #tpu.memory_space<vmem>>) target_semaphore(%arg9 : memref<!tpu.dma_semaphore, #tpu.memory_space<semaphore_mem>>)
    %dma_start3A_182 = arith.constant 11 : i32
    %dma_start3A_183 = arith.constant 0 : i32
    %dma_start3A_184 = tpu.memref_slice %arg8[%dma_start3A_182, %dma_start3A_183] : memref<32x64xf32, #tpu.memory_space<vmem>> -> memref<1x64xf32, #tpu.memory_space<vmem>>
    %dma_start3A_185 = arith.constant 0 : i32
    %dma_start3A_186 = tpu.memref_slice %arg4[%squeeze3A_28, %dma_start3A_185] : memref<100000x64xf32, #tpu.memory_space<hbm>> -> memref<1x64xf32, #tpu.memory_space<hbm>>
    %dma_start3A_187 = arith.constant 11 : i32
    %dma_start3A_188 = arith.constant 0 : i32
    %dma_start3A_189 = tpu.memref_slice %arg8[%dma_start3A_187, %dma_start3A_188] : memref<32x64xf32, #tpu.memory_space<vmem>> -> memref<1x64xf32, #tpu.memory_space<vmem>>
    %dma_start3A_190 = arith.constant 0 : i32
    %dma_start3A_191 = tpu.memref_slice %arg4[%squeeze3A_28, %dma_start3A_190] : memref<100000x64xf32, #tpu.memory_space<hbm>> -> memref<1x64xf32, #tpu.memory_space<hbm>>
    tpu.enqueue_dma source(%dma_start3A_191 : memref<1x64xf32, #tpu.memory_space<hbm>>) target(%dma_start3A_189 : memref<1x64xf32, #tpu.memory_space<vmem>>) target_semaphore(%arg9 : memref<!tpu.dma_semaphore, #tpu.memory_space<semaphore_mem>>)
    %dma_start3A_192 = arith.constant 12 : i32
    %dma_start3A_193 = arith.constant 0 : i32
    %dma_start3A_194 = tpu.memref_slice %arg8[%dma_start3A_192, %dma_start3A_193] : memref<32x64xf32, #tpu.memory_space<vmem>> -> memref<1x64xf32, #tpu.memory_space<vmem>>
    %dma_start3A_195 = arith.constant 0 : i32
    %dma_start3A_196 = tpu.memref_slice %arg4[%squeeze3A_30, %dma_start3A_195] : memref<100000x64xf32, #tpu.memory_space<hbm>> -> memref<1x64xf32, #tpu.memory_space<hbm>>
    %dma_start3A_197 = arith.constant 12 : i32
    %dma_start3A_198 = arith.constant 0 : i32
    %dma_start3A_199 = tpu.memref_slice %arg8[%dma_start3A_197, %dma_start3A_198] : memref<32x64xf32, #tpu.memory_space<vmem>> -> memref<1x64xf32, #tpu.memory_space<vmem>>
    %dma_start3A_200 = arith.constant 0 : i32
    %dma_start3A_201 = tpu.memref_slice %arg4[%squeeze3A_30, %dma_start3A_200] : memref<100000x64xf32, #tpu.memory_space<hbm>> -> memref<1x64xf32, #tpu.memory_space<hbm>>
    tpu.enqueue_dma source(%dma_start3A_201 : memref<1x64xf32, #tpu.memory_space<hbm>>) target(%dma_start3A_199 : memref<1x64xf32, #tpu.memory_space<vmem>>) target_semaphore(%arg9 : memref<!tpu.dma_semaphore, #tpu.memory_space<semaphore_mem>>)
    %dma_start3A_202 = arith.constant 13 : i32
    %dma_start3A_203 = arith.constant 0 : i32
    %dma_start3A_204 = tpu.memref_slice %arg8[%dma_start3A_202, %dma_start3A_203] : memref<32x64xf32, #tpu.memory_space<vmem>> -> memref<1x64xf32, #tpu.memory_space<vmem>>
    %dma_start3A_205 = arith.constant 0 : i32
    %dma_start3A_206 = tpu.memref_slice %arg4[%squeeze3A_32, %dma_start3A_205] : memref<100000x64xf32, #tpu.memory_space<hbm>> -> memref<1x64xf32, #tpu.memory_space<hbm>>
    %dma_start3A_207 = arith.constant 13 : i32
    %dma_start3A_208 = arith.constant 0 : i32
    %dma_start3A_209 = tpu.memref_slice %arg8[%dma_start3A_207, %dma_start3A_208] : memref<32x64xf32, #tpu.memory_space<vmem>> -> memref<1x64xf32, #tpu.memory_space<vmem>>
    %dma_start3A_210 = arith.constant 0 : i32
    %dma_start3A_211 = tpu.memref_slice %arg4[%squeeze3A_32, %dma_start3A_210] : memref<100000x64xf32, #tpu.memory_space<hbm>> -> memref<1x64xf32, #tpu.memory_space<hbm>>
    tpu.enqueue_dma source(%dma_start3A_211 : memref<1x64xf32, #tpu.memory_space<hbm>>) target(%dma_start3A_209 : memref<1x64xf32, #tpu.memory_space<vmem>>) target_semaphore(%arg9 : memref<!tpu.dma_semaphore, #tpu.memory_space<semaphore_mem>>)
    %dma_start3A_212 = arith.constant 14 : i32
    %dma_start3A_213 = arith.constant 0 : i32
    %dma_start3A_214 = tpu.memref_slice %arg8[%dma_start3A_212, %dma_start3A_213] : memref<32x64xf32, #tpu.memory_space<vmem>> -> memref<1x64xf32, #tpu.memory_space<vmem>>
    %dma_start3A_215 = arith.constant 0 : i32
    %dma_start3A_216 = tpu.memref_slice %arg4[%squeeze3A_34, %dma_start3A_215] : memref<100000x64xf32, #tpu.memory_space<hbm>> -> memref<1x64xf32, #tpu.memory_space<hbm>>
    %dma_start3A_217 = arith.constant 14 : i32
    %dma_start3A_218 = arith.constant 0 : i32
    %dma_start3A_219 = tpu.memref_slice %arg8[%dma_start3A_217, %dma_start3A_218] : memref<32x64xf32, #tpu.memory_space<vmem>> -> memref<1x64xf32, #tpu.memory_space<vmem>>
    %dma_start3A_220 = arith.constant 0 : i32
    %dma_start3A_221 = tpu.memref_slice %arg4[%squeeze3A_34, %dma_start3A_220] : memref<100000x64xf32, #tpu.memory_space<hbm>> -> memref<1x64xf32, #tpu.memory_space<hbm>>
    tpu.enqueue_dma source(%dma_start3A_221 : memref<1x64xf32, #tpu.memory_space<hbm>>) target(%dma_start3A_219 : memref<1x64xf32, #tpu.memory_space<vmem>>) target_semaphore(%arg9 : memref<!tpu.dma_semaphore, #tpu.memory_space<semaphore_mem>>)
    %dma_start3A_222 = arith.constant 15 : i32
    %dma_start3A_223 = arith.constant 0 : i32
    %dma_start3A_224 = tpu.memref_slice %arg8[%dma_start3A_222, %dma_start3A_223] : memref<32x64xf32, #tpu.memory_space<vmem>> -> memref<1x64xf32, #tpu.memory_space<vmem>>
    %dma_start3A_225 = arith.constant 0 : i32
    %dma_start3A_226 = tpu.memref_slice %arg4[%squeeze3A_36, %dma_start3A_225] : memref<100000x64xf32, #tpu.memory_space<hbm>> -> memref<1x64xf32, #tpu.memory_space<hbm>>
    %dma_start3A_227 = arith.constant 15 : i32
    %dma_start3A_228 = arith.constant 0 : i32
    %dma_start3A_229 = tpu.memref_slice %arg8[%dma_start3A_227, %dma_start3A_228] : memref<32x64xf32, #tpu.memory_space<vmem>> -> memref<1x64xf32, #tpu.memory_space<vmem>>
    %dma_start3A_230 = arith.constant 0 : i32
    %dma_start3A_231 = tpu.memref_slice %arg4[%squeeze3A_36, %dma_start3A_230] : memref<100000x64xf32, #tpu.memory_space<hbm>> -> memref<1x64xf32, #tpu.memory_space<hbm>>
    tpu.enqueue_dma source(%dma_start3A_231 : memref<1x64xf32, #tpu.memory_space<hbm>>) target(%dma_start3A_229 : memref<1x64xf32, #tpu.memory_space<vmem>>) target_semaphore(%arg9 : memref<!tpu.dma_semaphore, #tpu.memory_space<semaphore_mem>>)
    %dma_start3A_232 = arith.constant 16 : i32
    %dma_start3A_233 = arith.constant 0 : i32
    %dma_start3A_234 = tpu.memref_slice %arg8[%dma_start3A_232, %dma_start3A_233] : memref<32x64xf32, #tpu.memory_space<vmem>> -> memref<1x64xf32, #tpu.memory_space<vmem>>
    %dma_start3A_235 = arith.constant 0 : i32
    %dma_start3A_236 = tpu.memref_slice %arg4[%squeeze3A_41, %dma_start3A_235] : memref<100000x64xf32, #tpu.memory_space<hbm>> -> memref<1x64xf32, #tpu.memory_space<hbm>>
    %dma_start3A_237 = arith.constant 16 : i32
    %dma_start3A_238 = arith.constant 0 : i32
    %dma_start3A_239 = tpu.memref_slice %arg8[%dma_start3A_237, %dma_start3A_238] : memref<32x64xf32, #tpu.memory_space<vmem>> -> memref<1x64xf32, #tpu.memory_space<vmem>>
    %dma_start3A_240 = arith.constant 0 : i32
    %dma_start3A_241 = tpu.memref_slice %arg4[%squeeze3A_41, %dma_start3A_240] : memref<100000x64xf32, #tpu.memory_space<hbm>> -> memref<1x64xf32, #tpu.memory_space<hbm>>
    tpu.enqueue_dma source(%dma_start3A_241 : memref<1x64xf32, #tpu.memory_space<hbm>>) target(%dma_start3A_239 : memref<1x64xf32, #tpu.memory_space<vmem>>) target_semaphore(%arg9 : memref<!tpu.dma_semaphore, #tpu.memory_space<semaphore_mem>>)
    %dma_start3A_242 = arith.constant 17 : i32
    %dma_start3A_243 = arith.constant 0 : i32
    %dma_start3A_244 = tpu.memref_slice %arg8[%dma_start3A_242, %dma_start3A_243] : memref<32x64xf32, #tpu.memory_space<vmem>> -> memref<1x64xf32, #tpu.memory_space<vmem>>
    %dma_start3A_245 = arith.constant 0 : i32
    %dma_start3A_246 = tpu.memref_slice %arg4[%squeeze3A_43, %dma_start3A_245] : memref<100000x64xf32, #tpu.memory_space<hbm>> -> memref<1x64xf32, #tpu.memory_space<hbm>>
    %dma_start3A_247 = arith.constant 17 : i32
    %dma_start3A_248 = arith.constant 0 : i32
    %dma_start3A_249 = tpu.memref_slice %arg8[%dma_start3A_247, %dma_start3A_248] : memref<32x64xf32, #tpu.memory_space<vmem>> -> memref<1x64xf32, #tpu.memory_space<vmem>>
    %dma_start3A_250 = arith.constant 0 : i32
    %dma_start3A_251 = tpu.memref_slice %arg4[%squeeze3A_43, %dma_start3A_250] : memref<100000x64xf32, #tpu.memory_space<hbm>> -> memref<1x64xf32, #tpu.memory_space<hbm>>
    tpu.enqueue_dma source(%dma_start3A_251 : memref<1x64xf32, #tpu.memory_space<hbm>>) target(%dma_start3A_249 : memref<1x64xf32, #tpu.memory_space<vmem>>) target_semaphore(%arg9 : memref<!tpu.dma_semaphore, #tpu.memory_space<semaphore_mem>>)
    %dma_start3A_252 = arith.constant 18 : i32
    %dma_start3A_253 = arith.constant 0 : i32
    %dma_start3A_254 = tpu.memref_slice %arg8[%dma_start3A_252, %dma_start3A_253] : memref<32x64xf32, #tpu.memory_space<vmem>> -> memref<1x64xf32, #tpu.memory_space<vmem>>
    %dma_start3A_255 = arith.constant 0 : i32
    %dma_start3A_256 = tpu.memref_slice %arg4[%squeeze3A_45, %dma_start3A_255] : memref<100000x64xf32, #tpu.memory_space<hbm>> -> memref<1x64xf32, #tpu.memory_space<hbm>>
    %dma_start3A_257 = arith.constant 18 : i32
    %dma_start3A_258 = arith.constant 0 : i32
    %dma_start3A_259 = tpu.memref_slice %arg8[%dma_start3A_257, %dma_start3A_258] : memref<32x64xf32, #tpu.memory_space<vmem>> -> memref<1x64xf32, #tpu.memory_space<vmem>>
    %dma_start3A_260 = arith.constant 0 : i32
    %dma_start3A_261 = tpu.memref_slice %arg4[%squeeze3A_45, %dma_start3A_260] : memref<100000x64xf32, #tpu.memory_space<hbm>> -> memref<1x64xf32, #tpu.memory_space<hbm>>
    tpu.enqueue_dma source(%dma_start3A_261 : memref<1x64xf32, #tpu.memory_space<hbm>>) target(%dma_start3A_259 : memref<1x64xf32, #tpu.memory_space<vmem>>) target_semaphore(%arg9 : memref<!tpu.dma_semaphore, #tpu.memory_space<semaphore_mem>>)
    %dma_start3A_262 = arith.constant 19 : i32
    %dma_start3A_263 = arith.constant 0 : i32
    %dma_start3A_264 = tpu.memref_slice %arg8[%dma_start3A_262, %dma_start3A_263] : memref<32x64xf32, #tpu.memory_space<vmem>> -> memref<1x64xf32, #tpu.memory_space<vmem>>
    %dma_start3A_265 = arith.constant 0 : i32
    %dma_start3A_266 = tpu.memref_slice %arg4[%squeeze3A_47, %dma_start3A_265] : memref<100000x64xf32, #tpu.memory_space<hbm>> -> memref<1x64xf32, #tpu.memory_space<hbm>>
    %dma_start3A_267 = arith.constant 19 : i32
    %dma_start3A_268 = arith.constant 0 : i32
    %dma_start3A_269 = tpu.memref_slice %arg8[%dma_start3A_267, %dma_start3A_268] : memref<32x64xf32, #tpu.memory_space<vmem>> -> memref<1x64xf32, #tpu.memory_space<vmem>>
    %dma_start3A_270 = arith.constant 0 : i32
    %dma_start3A_271 = tpu.memref_slice %arg4[%squeeze3A_47, %dma_start3A_270] : memref<100000x64xf32, #tpu.memory_space<hbm>> -> memref<1x64xf32, #tpu.memory_space<hbm>>
    tpu.enqueue_dma source(%dma_start3A_271 : memref<1x64xf32, #tpu.memory_space<hbm>>) target(%dma_start3A_269 : memref<1x64xf32, #tpu.memory_space<vmem>>) target_semaphore(%arg9 : memref<!tpu.dma_semaphore, #tpu.memory_space<semaphore_mem>>)
    %dma_start3A_272 = arith.constant 20 : i32
    %dma_start3A_273 = arith.constant 0 : i32
    %dma_start3A_274 = tpu.memref_slice %arg8[%dma_start3A_272, %dma_start3A_273] : memref<32x64xf32, #tpu.memory_space<vmem>> -> memref<1x64xf32, #tpu.memory_space<vmem>>
    %dma_start3A_275 = arith.constant 0 : i32
    %dma_start3A_276 = tpu.memref_slice %arg4[%squeeze3A_49, %dma_start3A_275] : memref<100000x64xf32, #tpu.memory_space<hbm>> -> memref<1x64xf32, #tpu.memory_space<hbm>>
    %dma_start3A_277 = arith.constant 20 : i32
    %dma_start3A_278 = arith.constant 0 : i32
    %dma_start3A_279 = tpu.memref_slice %arg8[%dma_start3A_277, %dma_start3A_278] : memref<32x64xf32, #tpu.memory_space<vmem>> -> memref<1x64xf32, #tpu.memory_space<vmem>>
    %dma_start3A_280 = arith.constant 0 : i32
    %dma_start3A_281 = tpu.memref_slice %arg4[%squeeze3A_49, %dma_start3A_280] : memref<100000x64xf32, #tpu.memory_space<hbm>> -> memref<1x64xf32, #tpu.memory_space<hbm>>
    tpu.enqueue_dma source(%dma_start3A_281 : memref<1x64xf32, #tpu.memory_space<hbm>>) target(%dma_start3A_279 : memref<1x64xf32, #tpu.memory_space<vmem>>) target_semaphore(%arg9 : memref<!tpu.dma_semaphore, #tpu.memory_space<semaphore_mem>>)
    %dma_start3A_282 = arith.constant 21 : i32
    %dma_start3A_283 = arith.constant 0 : i32
    %dma_start3A_284 = tpu.memref_slice %arg8[%dma_start3A_282, %dma_start3A_283] : memref<32x64xf32, #tpu.memory_space<vmem>> -> memref<1x64xf32, #tpu.memory_space<vmem>>
    %dma_start3A_285 = arith.constant 0 : i32
    %dma_start3A_286 = tpu.memref_slice %arg4[%squeeze3A_51, %dma_start3A_285] : memref<100000x64xf32, #tpu.memory_space<hbm>> -> memref<1x64xf32, #tpu.memory_space<hbm>>
    %dma_start3A_287 = arith.constant 21 : i32
    %dma_start3A_288 = arith.constant 0 : i32
    %dma_start3A_289 = tpu.memref_slice %arg8[%dma_start3A_287, %dma_start3A_288] : memref<32x64xf32, #tpu.memory_space<vmem>> -> memref<1x64xf32, #tpu.memory_space<vmem>>
    %dma_start3A_290 = arith.constant 0 : i32
    %dma_start3A_291 = tpu.memref_slice %arg4[%squeeze3A_51, %dma_start3A_290] : memref<100000x64xf32, #tpu.memory_space<hbm>> -> memref<1x64xf32, #tpu.memory_space<hbm>>
    tpu.enqueue_dma source(%dma_start3A_291 : memref<1x64xf32, #tpu.memory_space<hbm>>) target(%dma_start3A_289 : memref<1x64xf32, #tpu.memory_space<vmem>>) target_semaphore(%arg9 : memref<!tpu.dma_semaphore, #tpu.memory_space<semaphore_mem>>)
    %dma_start3A_292 = arith.constant 22 : i32
    %dma_start3A_293 = arith.constant 0 : i32
    %dma_start3A_294 = tpu.memref_slice %arg8[%dma_start3A_292, %dma_start3A_293] : memref<32x64xf32, #tpu.memory_space<vmem>> -> memref<1x64xf32, #tpu.memory_space<vmem>>
    %dma_start3A_295 = arith.constant 0 : i32
    %dma_start3A_296 = tpu.memref_slice %arg4[%squeeze3A_53, %dma_start3A_295] : memref<100000x64xf32, #tpu.memory_space<hbm>> -> memref<1x64xf32, #tpu.memory_space<hbm>>
    %dma_start3A_297 = arith.constant 22 : i32
    %dma_start3A_298 = arith.constant 0 : i32
    %dma_start3A_299 = tpu.memref_slice %arg8[%dma_start3A_297, %dma_start3A_298] : memref<32x64xf32, #tpu.memory_space<vmem>> -> memref<1x64xf32, #tpu.memory_space<vmem>>
    %dma_start3A_300 = arith.constant 0 : i32
    %dma_start3A_301 = tpu.memref_slice %arg4[%squeeze3A_53, %dma_start3A_300] : memref<100000x64xf32, #tpu.memory_space<hbm>> -> memref<1x64xf32, #tpu.memory_space<hbm>>
    tpu.enqueue_dma source(%dma_start3A_301 : memref<1x64xf32, #tpu.memory_space<hbm>>) target(%dma_start3A_299 : memref<1x64xf32, #tpu.memory_space<vmem>>) target_semaphore(%arg9 : memref<!tpu.dma_semaphore, #tpu.memory_space<semaphore_mem>>)
    %dma_start3A_302 = arith.constant 23 : i32
    %dma_start3A_303 = arith.constant 0 : i32
    %dma_start3A_304 = tpu.memref_slice %arg8[%dma_start3A_302, %dma_start3A_303] : memref<32x64xf32, #tpu.memory_space<vmem>> -> memref<1x64xf32, #tpu.memory_space<vmem>>
    %dma_start3A_305 = arith.constant 0 : i32
    %dma_start3A_306 = tpu.memref_slice %arg4[%squeeze3A_55, %dma_start3A_305] : memref<100000x64xf32, #tpu.memory_space<hbm>> -> memref<1x64xf32, #tpu.memory_space<hbm>>
    %dma_start3A_307 = arith.constant 23 : i32
    %dma_start3A_308 = arith.constant 0 : i32
    %dma_start3A_309 = tpu.memref_slice %arg8[%dma_start3A_307, %dma_start3A_308] : memref<32x64xf32, #tpu.memory_space<vmem>> -> memref<1x64xf32, #tpu.memory_space<vmem>>
    %dma_start3A_310 = arith.constant 0 : i32
    %dma_start3A_311 = tpu.memref_slice %arg4[%squeeze3A_55, %dma_start3A_310] : memref<100000x64xf32, #tpu.memory_space<hbm>> -> memref<1x64xf32, #tpu.memory_space<hbm>>
    tpu.enqueue_dma source(%dma_start3A_311 : memref<1x64xf32, #tpu.memory_space<hbm>>) target(%dma_start3A_309 : memref<1x64xf32, #tpu.memory_space<vmem>>) target_semaphore(%arg9 : memref<!tpu.dma_semaphore, #tpu.memory_space<semaphore_mem>>)
    %dma_start3A_312 = arith.constant 24 : i32
    %dma_start3A_313 = arith.constant 0 : i32
    %dma_start3A_314 = tpu.memref_slice %arg8[%dma_start3A_312, %dma_start3A_313] : memref<32x64xf32, #tpu.memory_space<vmem>> -> memref<1x64xf32, #tpu.memory_space<vmem>>
    %dma_start3A_315 = arith.constant 0 : i32
    %dma_start3A_316 = tpu.memref_slice %arg4[%squeeze3A_57, %dma_start3A_315] : memref<100000x64xf32, #tpu.memory_space<hbm>> -> memref<1x64xf32, #tpu.memory_space<hbm>>
    %dma_start3A_317 = arith.constant 24 : i32
    %dma_start3A_318 = arith.constant 0 : i32
    %dma_start3A_319 = tpu.memref_slice %arg8[%dma_start3A_317, %dma_start3A_318] : memref<32x64xf32, #tpu.memory_space<vmem>> -> memref<1x64xf32, #tpu.memory_space<vmem>>
    %dma_start3A_320 = arith.constant 0 : i32
    %dma_start3A_321 = tpu.memref_slice %arg4[%squeeze3A_57, %dma_start3A_320] : memref<100000x64xf32, #tpu.memory_space<hbm>> -> memref<1x64xf32, #tpu.memory_space<hbm>>
    tpu.enqueue_dma source(%dma_start3A_321 : memref<1x64xf32, #tpu.memory_space<hbm>>) target(%dma_start3A_319 : memref<1x64xf32, #tpu.memory_space<vmem>>) target_semaphore(%arg9 : memref<!tpu.dma_semaphore, #tpu.memory_space<semaphore_mem>>)
    %dma_start3A_322 = arith.constant 25 : i32
    %dma_start3A_323 = arith.constant 0 : i32
    %dma_start3A_324 = tpu.memref_slice %arg8[%dma_start3A_322, %dma_start3A_323] : memref<32x64xf32, #tpu.memory_space<vmem>> -> memref<1x64xf32, #tpu.memory_space<vmem>>
    %dma_start3A_325 = arith.constant 0 : i32
    %dma_start3A_326 = tpu.memref_slice %arg4[%squeeze3A_59, %dma_start3A_325] : memref<100000x64xf32, #tpu.memory_space<hbm>> -> memref<1x64xf32, #tpu.memory_space<hbm>>
    %dma_start3A_327 = arith.constant 25 : i32
    %dma_start3A_328 = arith.constant 0 : i32
    %dma_start3A_329 = tpu.memref_slice %arg8[%dma_start3A_327, %dma_start3A_328] : memref<32x64xf32, #tpu.memory_space<vmem>> -> memref<1x64xf32, #tpu.memory_space<vmem>>
    %dma_start3A_330 = arith.constant 0 : i32
    %dma_start3A_331 = tpu.memref_slice %arg4[%squeeze3A_59, %dma_start3A_330] : memref<100000x64xf32, #tpu.memory_space<hbm>> -> memref<1x64xf32, #tpu.memory_space<hbm>>
    tpu.enqueue_dma source(%dma_start3A_331 : memref<1x64xf32, #tpu.memory_space<hbm>>) target(%dma_start3A_329 : memref<1x64xf32, #tpu.memory_space<vmem>>) target_semaphore(%arg9 : memref<!tpu.dma_semaphore, #tpu.memory_space<semaphore_mem>>)
    %dma_start3A_332 = arith.constant 26 : i32
    %dma_start3A_333 = arith.constant 0 : i32
    %dma_start3A_334 = tpu.memref_slice %arg8[%dma_start3A_332, %dma_start3A_333] : memref<32x64xf32, #tpu.memory_space<vmem>> -> memref<1x64xf32, #tpu.memory_space<vmem>>
    %dma_start3A_335 = arith.constant 0 : i32
    %dma_start3A_336 = tpu.memref_slice %arg4[%squeeze3A_61, %dma_start3A_335] : memref<100000x64xf32, #tpu.memory_space<hbm>> -> memref<1x64xf32, #tpu.memory_space<hbm>>
    %dma_start3A_337 = arith.constant 26 : i32
    %dma_start3A_338 = arith.constant 0 : i32
    %dma_start3A_339 = tpu.memref_slice %arg8[%dma_start3A_337, %dma_start3A_338] : memref<32x64xf32, #tpu.memory_space<vmem>> -> memref<1x64xf32, #tpu.memory_space<vmem>>
    %dma_start3A_340 = arith.constant 0 : i32
    %dma_start3A_341 = tpu.memref_slice %arg4[%squeeze3A_61, %dma_start3A_340] : memref<100000x64xf32, #tpu.memory_space<hbm>> -> memref<1x64xf32, #tpu.memory_space<hbm>>
    tpu.enqueue_dma source(%dma_start3A_341 : memref<1x64xf32, #tpu.memory_space<hbm>>) target(%dma_start3A_339 : memref<1x64xf32, #tpu.memory_space<vmem>>) target_semaphore(%arg9 : memref<!tpu.dma_semaphore, #tpu.memory_space<semaphore_mem>>)
    %dma_start3A_342 = arith.constant 27 : i32
    %dma_start3A_343 = arith.constant 0 : i32
    %dma_start3A_344 = tpu.memref_slice %arg8[%dma_start3A_342, %dma_start3A_343] : memref<32x64xf32, #tpu.memory_space<vmem>> -> memref<1x64xf32, #tpu.memory_space<vmem>>
    %dma_start3A_345 = arith.constant 0 : i32
    %dma_start3A_346 = tpu.memref_slice %arg4[%squeeze3A_63, %dma_start3A_345] : memref<100000x64xf32, #tpu.memory_space<hbm>> -> memref<1x64xf32, #tpu.memory_space<hbm>>
    %dma_start3A_347 = arith.constant 27 : i32
    %dma_start3A_348 = arith.constant 0 : i32
    %dma_start3A_349 = tpu.memref_slice %arg8[%dma_start3A_347, %dma_start3A_348] : memref<32x64xf32, #tpu.memory_space<vmem>> -> memref<1x64xf32, #tpu.memory_space<vmem>>
    %dma_start3A_350 = arith.constant 0 : i32
    %dma_start3A_351 = tpu.memref_slice %arg4[%squeeze3A_63, %dma_start3A_350] : memref<100000x64xf32, #tpu.memory_space<hbm>> -> memref<1x64xf32, #tpu.memory_space<hbm>>
    tpu.enqueue_dma source(%dma_start3A_351 : memref<1x64xf32, #tpu.memory_space<hbm>>) target(%dma_start3A_349 : memref<1x64xf32, #tpu.memory_space<vmem>>) target_semaphore(%arg9 : memref<!tpu.dma_semaphore, #tpu.memory_space<semaphore_mem>>)
    %dma_start3A_352 = arith.constant 28 : i32
    %dma_start3A_353 = arith.constant 0 : i32
    %dma_start3A_354 = tpu.memref_slice %arg8[%dma_start3A_352, %dma_start3A_353] : memref<32x64xf32, #tpu.memory_space<vmem>> -> memref<1x64xf32, #tpu.memory_space<vmem>>
    %dma_start3A_355 = arith.constant 0 : i32
    %dma_start3A_356 = tpu.memref_slice %arg4[%squeeze3A_65, %dma_start3A_355] : memref<100000x64xf32, #tpu.memory_space<hbm>> -> memref<1x64xf32, #tpu.memory_space<hbm>>
    %dma_start3A_357 = arith.constant 28 : i32
    %dma_start3A_358 = arith.constant 0 : i32
    %dma_start3A_359 = tpu.memref_slice %arg8[%dma_start3A_357, %dma_start3A_358] : memref<32x64xf32, #tpu.memory_space<vmem>> -> memref<1x64xf32, #tpu.memory_space<vmem>>
    %dma_start3A_360 = arith.constant 0 : i32
    %dma_start3A_361 = tpu.memref_slice %arg4[%squeeze3A_65, %dma_start3A_360] : memref<100000x64xf32, #tpu.memory_space<hbm>> -> memref<1x64xf32, #tpu.memory_space<hbm>>
    tpu.enqueue_dma source(%dma_start3A_361 : memref<1x64xf32, #tpu.memory_space<hbm>>) target(%dma_start3A_359 : memref<1x64xf32, #tpu.memory_space<vmem>>) target_semaphore(%arg9 : memref<!tpu.dma_semaphore, #tpu.memory_space<semaphore_mem>>)
    %dma_start3A_362 = arith.constant 29 : i32
    %dma_start3A_363 = arith.constant 0 : i32
    %dma_start3A_364 = tpu.memref_slice %arg8[%dma_start3A_362, %dma_start3A_363] : memref<32x64xf32, #tpu.memory_space<vmem>> -> memref<1x64xf32, #tpu.memory_space<vmem>>
    %dma_start3A_365 = arith.constant 0 : i32
    %dma_start3A_366 = tpu.memref_slice %arg4[%squeeze3A_67, %dma_start3A_365] : memref<100000x64xf32, #tpu.memory_space<hbm>> -> memref<1x64xf32, #tpu.memory_space<hbm>>
    %dma_start3A_367 = arith.constant 29 : i32
    %dma_start3A_368 = arith.constant 0 : i32
    %dma_start3A_369 = tpu.memref_slice %arg8[%dma_start3A_367, %dma_start3A_368] : memref<32x64xf32, #tpu.memory_space<vmem>> -> memref<1x64xf32, #tpu.memory_space<vmem>>
    %dma_start3A_370 = arith.constant 0 : i32
    %dma_start3A_371 = tpu.memref_slice %arg4[%squeeze3A_67, %dma_start3A_370] : memref<100000x64xf32, #tpu.memory_space<hbm>> -> memref<1x64xf32, #tpu.memory_space<hbm>>
    tpu.enqueue_dma source(%dma_start3A_371 : memref<1x64xf32, #tpu.memory_space<hbm>>) target(%dma_start3A_369 : memref<1x64xf32, #tpu.memory_space<vmem>>) target_semaphore(%arg9 : memref<!tpu.dma_semaphore, #tpu.memory_space<semaphore_mem>>)
    %dma_start3A_372 = arith.constant 30 : i32
    %dma_start3A_373 = arith.constant 0 : i32
    %dma_start3A_374 = tpu.memref_slice %arg8[%dma_start3A_372, %dma_start3A_373] : memref<32x64xf32, #tpu.memory_space<vmem>> -> memref<1x64xf32, #tpu.memory_space<vmem>>
    %dma_start3A_375 = arith.constant 0 : i32
    %dma_start3A_376 = tpu.memref_slice %arg4[%squeeze3A_69, %dma_start3A_375] : memref<100000x64xf32, #tpu.memory_space<hbm>> -> memref<1x64xf32, #tpu.memory_space<hbm>>
    %dma_start3A_377 = arith.constant 30 : i32
    %dma_start3A_378 = arith.constant 0 : i32
    %dma_start3A_379 = tpu.memref_slice %arg8[%dma_start3A_377, %dma_start3A_378] : memref<32x64xf32, #tpu.memory_space<vmem>> -> memref<1x64xf32, #tpu.memory_space<vmem>>
    %dma_start3A_380 = arith.constant 0 : i32
    %dma_start3A_381 = tpu.memref_slice %arg4[%squeeze3A_69, %dma_start3A_380] : memref<100000x64xf32, #tpu.memory_space<hbm>> -> memref<1x64xf32, #tpu.memory_space<hbm>>
    tpu.enqueue_dma source(%dma_start3A_381 : memref<1x64xf32, #tpu.memory_space<hbm>>) target(%dma_start3A_379 : memref<1x64xf32, #tpu.memory_space<vmem>>) target_semaphore(%arg9 : memref<!tpu.dma_semaphore, #tpu.memory_space<semaphore_mem>>)
    %dma_start3A_382 = arith.constant 31 : i32
    %dma_start3A_383 = arith.constant 0 : i32
    %dma_start3A_384 = tpu.memref_slice %arg8[%dma_start3A_382, %dma_start3A_383] : memref<32x64xf32, #tpu.memory_space<vmem>> -> memref<1x64xf32, #tpu.memory_space<vmem>>
    %dma_start3A_385 = arith.constant 0 : i32
    %dma_start3A_386 = tpu.memref_slice %arg4[%squeeze3A_71, %dma_start3A_385] : memref<100000x64xf32, #tpu.memory_space<hbm>> -> memref<1x64xf32, #tpu.memory_space<hbm>>
    %dma_start3A_387 = arith.constant 31 : i32
    %dma_start3A_388 = arith.constant 0 : i32
    %dma_start3A_389 = tpu.memref_slice %arg8[%dma_start3A_387, %dma_start3A_388] : memref<32x64xf32, #tpu.memory_space<vmem>> -> memref<1x64xf32, #tpu.memory_space<vmem>>
    %dma_start3A_390 = arith.constant 0 : i32
    %dma_start3A_391 = tpu.memref_slice %arg4[%squeeze3A_71, %dma_start3A_390] : memref<100000x64xf32, #tpu.memory_space<hbm>> -> memref<1x64xf32, #tpu.memory_space<hbm>>
    tpu.enqueue_dma source(%dma_start3A_391 : memref<1x64xf32, #tpu.memory_space<hbm>>) target(%dma_start3A_389 : memref<1x64xf32, #tpu.memory_space<vmem>>) target_semaphore(%arg9 : memref<!tpu.dma_semaphore, #tpu.memory_space<semaphore_mem>>)
    %dma_wait3A_392 = arith.constant 0 : i32
    %dma_wait3A_393 = arith.constant 0 : i32
    %dma_wait3A_394 = tpu.memref_slice %arg8[%dma_wait3A_392, %dma_wait3A_393] : memref<32x64xf32, #tpu.memory_space<vmem>> -> memref<1x64xf32, #tpu.memory_space<vmem>>
    %dma_wait3A_395 = arith.constant 0 : i32
    %dma_wait3A_396 = tpu.memref_slice %arg4[%squeeze3A, %dma_wait3A_395] : memref<100000x64xf32, #tpu.memory_space<hbm>> -> memref<1x64xf32, #tpu.memory_space<hbm>>
    %dma_wait3A_397 = arith.constant 0 : i32
    %dma_wait3A_398 = arith.constant 0 : i32
    %dma_wait3A_399 = tpu.memref_slice %arg8[%dma_wait3A_397, %dma_wait3A_398] : memref<32x64xf32, #tpu.memory_space<vmem>> -> memref<1x64xf32, #tpu.memory_space<vmem>>
    %dma_wait3A_400 = arith.constant 0 : i32
    %dma_wait3A_401 = tpu.memref_slice %arg4[%squeeze3A, %dma_wait3A_400] : memref<100000x64xf32, #tpu.memory_space<hbm>> -> memref<1x64xf32, #tpu.memory_space<hbm>>
    tpu.wait_dma2 semaphore(%arg9 : memref<!tpu.dma_semaphore, #tpu.memory_space<semaphore_mem>>) src(%dma_wait3A_401 : memref<1x64xf32, #tpu.memory_space<hbm>>) dst(%dma_wait3A_399 : memref<1x64xf32, #tpu.memory_space<vmem>>)
    %dma_wait3A_402 = arith.constant 1 : i32
    %dma_wait3A_403 = arith.constant 0 : i32
    %dma_wait3A_404 = tpu.memref_slice %arg8[%dma_wait3A_402, %dma_wait3A_403] : memref<32x64xf32, #tpu.memory_space<vmem>> -> memref<1x64xf32, #tpu.memory_space<vmem>>
    %dma_wait3A_405 = arith.constant 0 : i32
    %dma_wait3A_406 = tpu.memref_slice %arg4[%squeeze3A_8, %dma_wait3A_405] : memref<100000x64xf32, #tpu.memory_space<hbm>> -> memref<1x64xf32, #tpu.memory_space<hbm>>
    %dma_wait3A_407 = arith.constant 1 : i32
    %dma_wait3A_408 = arith.constant 0 : i32
    %dma_wait3A_409 = tpu.memref_slice %arg8[%dma_wait3A_407, %dma_wait3A_408] : memref<32x64xf32, #tpu.memory_space<vmem>> -> memref<1x64xf32, #tpu.memory_space<vmem>>
    %dma_wait3A_410 = arith.constant 0 : i32
    %dma_wait3A_411 = tpu.memref_slice %arg4[%squeeze3A_8, %dma_wait3A_410] : memref<100000x64xf32, #tpu.memory_space<hbm>> -> memref<1x64xf32, #tpu.memory_space<hbm>>
    tpu.wait_dma2 semaphore(%arg9 : memref<!tpu.dma_semaphore, #tpu.memory_space<semaphore_mem>>) src(%dma_wait3A_411 : memref<1x64xf32, #tpu.memory_space<hbm>>) dst(%dma_wait3A_409 : memref<1x64xf32, #tpu.memory_space<vmem>>)
    %dma_wait3A_412 = arith.constant 2 : i32
    %dma_wait3A_413 = arith.constant 0 : i32
    %dma_wait3A_414 = tpu.memref_slice %arg8[%dma_wait3A_412, %dma_wait3A_413] : memref<32x64xf32, #tpu.memory_space<vmem>> -> memref<1x64xf32, #tpu.memory_space<vmem>>
    %dma_wait3A_415 = arith.constant 0 : i32
    %dma_wait3A_416 = tpu.memref_slice %arg4[%squeeze3A_10, %dma_wait3A_415] : memref<100000x64xf32, #tpu.memory_space<hbm>> -> memref<1x64xf32, #tpu.memory_space<hbm>>
    %dma_wait3A_417 = arith.constant 2 : i32
    %dma_wait3A_418 = arith.constant 0 : i32
    %dma_wait3A_419 = tpu.memref_slice %arg8[%dma_wait3A_417, %dma_wait3A_418] : memref<32x64xf32, #tpu.memory_space<vmem>> -> memref<1x64xf32, #tpu.memory_space<vmem>>
    %dma_wait3A_420 = arith.constant 0 : i32
    %dma_wait3A_421 = tpu.memref_slice %arg4[%squeeze3A_10, %dma_wait3A_420] : memref<100000x64xf32, #tpu.memory_space<hbm>> -> memref<1x64xf32, #tpu.memory_space<hbm>>
    tpu.wait_dma2 semaphore(%arg9 : memref<!tpu.dma_semaphore, #tpu.memory_space<semaphore_mem>>) src(%dma_wait3A_421 : memref<1x64xf32, #tpu.memory_space<hbm>>) dst(%dma_wait3A_419 : memref<1x64xf32, #tpu.memory_space<vmem>>)
    %dma_wait3A_422 = arith.constant 3 : i32
    %dma_wait3A_423 = arith.constant 0 : i32
    %dma_wait3A_424 = tpu.memref_slice %arg8[%dma_wait3A_422, %dma_wait3A_423] : memref<32x64xf32, #tpu.memory_space<vmem>> -> memref<1x64xf32, #tpu.memory_space<vmem>>
    %dma_wait3A_425 = arith.constant 0 : i32
    %dma_wait3A_426 = tpu.memref_slice %arg4[%squeeze3A_12, %dma_wait3A_425] : memref<100000x64xf32, #tpu.memory_space<hbm>> -> memref<1x64xf32, #tpu.memory_space<hbm>>
    %dma_wait3A_427 = arith.constant 3 : i32
    %dma_wait3A_428 = arith.constant 0 : i32
    %dma_wait3A_429 = tpu.memref_slice %arg8[%dma_wait3A_427, %dma_wait3A_428] : memref<32x64xf32, #tpu.memory_space<vmem>> -> memref<1x64xf32, #tpu.memory_space<vmem>>
    %dma_wait3A_430 = arith.constant 0 : i32
    %dma_wait3A_431 = tpu.memref_slice %arg4[%squeeze3A_12, %dma_wait3A_430] : memref<100000x64xf32, #tpu.memory_space<hbm>> -> memref<1x64xf32, #tpu.memory_space<hbm>>
    tpu.wait_dma2 semaphore(%arg9 : memref<!tpu.dma_semaphore, #tpu.memory_space<semaphore_mem>>) src(%dma_wait3A_431 : memref<1x64xf32, #tpu.memory_space<hbm>>) dst(%dma_wait3A_429 : memref<1x64xf32, #tpu.memory_space<vmem>>)
    %dma_wait3A_432 = arith.constant 4 : i32
    %dma_wait3A_433 = arith.constant 0 : i32
    %dma_wait3A_434 = tpu.memref_slice %arg8[%dma_wait3A_432, %dma_wait3A_433] : memref<32x64xf32, #tpu.memory_space<vmem>> -> memref<1x64xf32, #tpu.memory_space<vmem>>
    %dma_wait3A_435 = arith.constant 0 : i32
    %dma_wait3A_436 = tpu.memref_slice %arg4[%squeeze3A_14, %dma_wait3A_435] : memref<100000x64xf32, #tpu.memory_space<hbm>> -> memref<1x64xf32, #tpu.memory_space<hbm>>
    %dma_wait3A_437 = arith.constant 4 : i32
    %dma_wait3A_438 = arith.constant 0 : i32
    %dma_wait3A_439 = tpu.memref_slice %arg8[%dma_wait3A_437, %dma_wait3A_438] : memref<32x64xf32, #tpu.memory_space<vmem>> -> memref<1x64xf32, #tpu.memory_space<vmem>>
    %dma_wait3A_440 = arith.constant 0 : i32
    %dma_wait3A_441 = tpu.memref_slice %arg4[%squeeze3A_14, %dma_wait3A_440] : memref<100000x64xf32, #tpu.memory_space<hbm>> -> memref<1x64xf32, #tpu.memory_space<hbm>>
    tpu.wait_dma2 semaphore(%arg9 : memref<!tpu.dma_semaphore, #tpu.memory_space<semaphore_mem>>) src(%dma_wait3A_441 : memref<1x64xf32, #tpu.memory_space<hbm>>) dst(%dma_wait3A_439 : memref<1x64xf32, #tpu.memory_space<vmem>>)
    %dma_wait3A_442 = arith.constant 5 : i32
    %dma_wait3A_443 = arith.constant 0 : i32
    %dma_wait3A_444 = tpu.memref_slice %arg8[%dma_wait3A_442, %dma_wait3A_443] : memref<32x64xf32, #tpu.memory_space<vmem>> -> memref<1x64xf32, #tpu.memory_space<vmem>>
    %dma_wait3A_445 = arith.constant 0 : i32
    %dma_wait3A_446 = tpu.memref_slice %arg4[%squeeze3A_16, %dma_wait3A_445] : memref<100000x64xf32, #tpu.memory_space<hbm>> -> memref<1x64xf32, #tpu.memory_space<hbm>>
    %dma_wait3A_447 = arith.constant 5 : i32
    %dma_wait3A_448 = arith.constant 0 : i32
    %dma_wait3A_449 = tpu.memref_slice %arg8[%dma_wait3A_447, %dma_wait3A_448] : memref<32x64xf32, #tpu.memory_space<vmem>> -> memref<1x64xf32, #tpu.memory_space<vmem>>
    %dma_wait3A_450 = arith.constant 0 : i32
    %dma_wait3A_451 = tpu.memref_slice %arg4[%squeeze3A_16, %dma_wait3A_450] : memref<100000x64xf32, #tpu.memory_space<hbm>> -> memref<1x64xf32, #tpu.memory_space<hbm>>
    tpu.wait_dma2 semaphore(%arg9 : memref<!tpu.dma_semaphore, #tpu.memory_space<semaphore_mem>>) src(%dma_wait3A_451 : memref<1x64xf32, #tpu.memory_space<hbm>>) dst(%dma_wait3A_449 : memref<1x64xf32, #tpu.memory_space<vmem>>)
    %dma_wait3A_452 = arith.constant 6 : i32
    %dma_wait3A_453 = arith.constant 0 : i32
    %dma_wait3A_454 = tpu.memref_slice %arg8[%dma_wait3A_452, %dma_wait3A_453] : memref<32x64xf32, #tpu.memory_space<vmem>> -> memref<1x64xf32, #tpu.memory_space<vmem>>
    %dma_wait3A_455 = arith.constant 0 : i32
    %dma_wait3A_456 = tpu.memref_slice %arg4[%squeeze3A_18, %dma_wait3A_455] : memref<100000x64xf32, #tpu.memory_space<hbm>> -> memref<1x64xf32, #tpu.memory_space<hbm>>
    %dma_wait3A_457 = arith.constant 6 : i32
    %dma_wait3A_458 = arith.constant 0 : i32
    %dma_wait3A_459 = tpu.memref_slice %arg8[%dma_wait3A_457, %dma_wait3A_458] : memref<32x64xf32, #tpu.memory_space<vmem>> -> memref<1x64xf32, #tpu.memory_space<vmem>>
    %dma_wait3A_460 = arith.constant 0 : i32
    %dma_wait3A_461 = tpu.memref_slice %arg4[%squeeze3A_18, %dma_wait3A_460] : memref<100000x64xf32, #tpu.memory_space<hbm>> -> memref<1x64xf32, #tpu.memory_space<hbm>>
    tpu.wait_dma2 semaphore(%arg9 : memref<!tpu.dma_semaphore, #tpu.memory_space<semaphore_mem>>) src(%dma_wait3A_461 : memref<1x64xf32, #tpu.memory_space<hbm>>) dst(%dma_wait3A_459 : memref<1x64xf32, #tpu.memory_space<vmem>>)
    %dma_wait3A_462 = arith.constant 7 : i32
    %dma_wait3A_463 = arith.constant 0 : i32
    %dma_wait3A_464 = tpu.memref_slice %arg8[%dma_wait3A_462, %dma_wait3A_463] : memref<32x64xf32, #tpu.memory_space<vmem>> -> memref<1x64xf32, #tpu.memory_space<vmem>>
    %dma_wait3A_465 = arith.constant 0 : i32
    %dma_wait3A_466 = tpu.memref_slice %arg4[%squeeze3A_20, %dma_wait3A_465] : memref<100000x64xf32, #tpu.memory_space<hbm>> -> memref<1x64xf32, #tpu.memory_space<hbm>>
    %dma_wait3A_467 = arith.constant 7 : i32
    %dma_wait3A_468 = arith.constant 0 : i32
    %dma_wait3A_469 = tpu.memref_slice %arg8[%dma_wait3A_467, %dma_wait3A_468] : memref<32x64xf32, #tpu.memory_space<vmem>> -> memref<1x64xf32, #tpu.memory_space<vmem>>
    %dma_wait3A_470 = arith.constant 0 : i32
    %dma_wait3A_471 = tpu.memref_slice %arg4[%squeeze3A_20, %dma_wait3A_470] : memref<100000x64xf32, #tpu.memory_space<hbm>> -> memref<1x64xf32, #tpu.memory_space<hbm>>
    tpu.wait_dma2 semaphore(%arg9 : memref<!tpu.dma_semaphore, #tpu.memory_space<semaphore_mem>>) src(%dma_wait3A_471 : memref<1x64xf32, #tpu.memory_space<hbm>>) dst(%dma_wait3A_469 : memref<1x64xf32, #tpu.memory_space<vmem>>)
    %dma_wait3A_472 = arith.constant 8 : i32
    %dma_wait3A_473 = arith.constant 0 : i32
    %dma_wait3A_474 = tpu.memref_slice %arg8[%dma_wait3A_472, %dma_wait3A_473] : memref<32x64xf32, #tpu.memory_space<vmem>> -> memref<1x64xf32, #tpu.memory_space<vmem>>
    %dma_wait3A_475 = arith.constant 0 : i32
    %dma_wait3A_476 = tpu.memref_slice %arg4[%squeeze3A_22, %dma_wait3A_475] : memref<100000x64xf32, #tpu.memory_space<hbm>> -> memref<1x64xf32, #tpu.memory_space<hbm>>
    %dma_wait3A_477 = arith.constant 8 : i32
    %dma_wait3A_478 = arith.constant 0 : i32
    %dma_wait3A_479 = tpu.memref_slice %arg8[%dma_wait3A_477, %dma_wait3A_478] : memref<32x64xf32, #tpu.memory_space<vmem>> -> memref<1x64xf32, #tpu.memory_space<vmem>>
    %dma_wait3A_480 = arith.constant 0 : i32
    %dma_wait3A_481 = tpu.memref_slice %arg4[%squeeze3A_22, %dma_wait3A_480] : memref<100000x64xf32, #tpu.memory_space<hbm>> -> memref<1x64xf32, #tpu.memory_space<hbm>>
    tpu.wait_dma2 semaphore(%arg9 : memref<!tpu.dma_semaphore, #tpu.memory_space<semaphore_mem>>) src(%dma_wait3A_481 : memref<1x64xf32, #tpu.memory_space<hbm>>) dst(%dma_wait3A_479 : memref<1x64xf32, #tpu.memory_space<vmem>>)
    %dma_wait3A_482 = arith.constant 9 : i32
    %dma_wait3A_483 = arith.constant 0 : i32
    %dma_wait3A_484 = tpu.memref_slice %arg8[%dma_wait3A_482, %dma_wait3A_483] : memref<32x64xf32, #tpu.memory_space<vmem>> -> memref<1x64xf32, #tpu.memory_space<vmem>>
    %dma_wait3A_485 = arith.constant 0 : i32
    %dma_wait3A_486 = tpu.memref_slice %arg4[%squeeze3A_24, %dma_wait3A_485] : memref<100000x64xf32, #tpu.memory_space<hbm>> -> memref<1x64xf32, #tpu.memory_space<hbm>>
    %dma_wait3A_487 = arith.constant 9 : i32
    %dma_wait3A_488 = arith.constant 0 : i32
    %dma_wait3A_489 = tpu.memref_slice %arg8[%dma_wait3A_487, %dma_wait3A_488] : memref<32x64xf32, #tpu.memory_space<vmem>> -> memref<1x64xf32, #tpu.memory_space<vmem>>
    %dma_wait3A_490 = arith.constant 0 : i32
    %dma_wait3A_491 = tpu.memref_slice %arg4[%squeeze3A_24, %dma_wait3A_490] : memref<100000x64xf32, #tpu.memory_space<hbm>> -> memref<1x64xf32, #tpu.memory_space<hbm>>
    tpu.wait_dma2 semaphore(%arg9 : memref<!tpu.dma_semaphore, #tpu.memory_space<semaphore_mem>>) src(%dma_wait3A_491 : memref<1x64xf32, #tpu.memory_space<hbm>>) dst(%dma_wait3A_489 : memref<1x64xf32, #tpu.memory_space<vmem>>)
    %dma_wait3A_492 = arith.constant 10 : i32
    %dma_wait3A_493 = arith.constant 0 : i32
    %dma_wait3A_494 = tpu.memref_slice %arg8[%dma_wait3A_492, %dma_wait3A_493] : memref<32x64xf32, #tpu.memory_space<vmem>> -> memref<1x64xf32, #tpu.memory_space<vmem>>
    %dma_wait3A_495 = arith.constant 0 : i32
    %dma_wait3A_496 = tpu.memref_slice %arg4[%squeeze3A_26, %dma_wait3A_495] : memref<100000x64xf32, #tpu.memory_space<hbm>> -> memref<1x64xf32, #tpu.memory_space<hbm>>
    %dma_wait3A_497 = arith.constant 10 : i32
    %dma_wait3A_498 = arith.constant 0 : i32
    %dma_wait3A_499 = tpu.memref_slice %arg8[%dma_wait3A_497, %dma_wait3A_498] : memref<32x64xf32, #tpu.memory_space<vmem>> -> memref<1x64xf32, #tpu.memory_space<vmem>>
    %dma_wait3A_500 = arith.constant 0 : i32
    %dma_wait3A_501 = tpu.memref_slice %arg4[%squeeze3A_26, %dma_wait3A_500] : memref<100000x64xf32, #tpu.memory_space<hbm>> -> memref<1x64xf32, #tpu.memory_space<hbm>>
    tpu.wait_dma2 semaphore(%arg9 : memref<!tpu.dma_semaphore, #tpu.memory_space<semaphore_mem>>) src(%dma_wait3A_501 : memref<1x64xf32, #tpu.memory_space<hbm>>) dst(%dma_wait3A_499 : memref<1x64xf32, #tpu.memory_space<vmem>>)
    %dma_wait3A_502 = arith.constant 11 : i32
    %dma_wait3A_503 = arith.constant 0 : i32
    %dma_wait3A_504 = tpu.memref_slice %arg8[%dma_wait3A_502, %dma_wait3A_503] : memref<32x64xf32, #tpu.memory_space<vmem>> -> memref<1x64xf32, #tpu.memory_space<vmem>>
    %dma_wait3A_505 = arith.constant 0 : i32
    %dma_wait3A_506 = tpu.memref_slice %arg4[%squeeze3A_28, %dma_wait3A_505] : memref<100000x64xf32, #tpu.memory_space<hbm>> -> memref<1x64xf32, #tpu.memory_space<hbm>>
    %dma_wait3A_507 = arith.constant 11 : i32
    %dma_wait3A_508 = arith.constant 0 : i32
    %dma_wait3A_509 = tpu.memref_slice %arg8[%dma_wait3A_507, %dma_wait3A_508] : memref<32x64xf32, #tpu.memory_space<vmem>> -> memref<1x64xf32, #tpu.memory_space<vmem>>
    %dma_wait3A_510 = arith.constant 0 : i32
    %dma_wait3A_511 = tpu.memref_slice %arg4[%squeeze3A_28, %dma_wait3A_510] : memref<100000x64xf32, #tpu.memory_space<hbm>> -> memref<1x64xf32, #tpu.memory_space<hbm>>
    tpu.wait_dma2 semaphore(%arg9 : memref<!tpu.dma_semaphore, #tpu.memory_space<semaphore_mem>>) src(%dma_wait3A_511 : memref<1x64xf32, #tpu.memory_space<hbm>>) dst(%dma_wait3A_509 : memref<1x64xf32, #tpu.memory_space<vmem>>)
    %dma_wait3A_512 = arith.constant 12 : i32
    %dma_wait3A_513 = arith.constant 0 : i32
    %dma_wait3A_514 = tpu.memref_slice %arg8[%dma_wait3A_512, %dma_wait3A_513] : memref<32x64xf32, #tpu.memory_space<vmem>> -> memref<1x64xf32, #tpu.memory_space<vmem>>
    %dma_wait3A_515 = arith.constant 0 : i32
    %dma_wait3A_516 = tpu.memref_slice %arg4[%squeeze3A_30, %dma_wait3A_515] : memref<100000x64xf32, #tpu.memory_space<hbm>> -> memref<1x64xf32, #tpu.memory_space<hbm>>
    %dma_wait3A_517 = arith.constant 12 : i32
    %dma_wait3A_518 = arith.constant 0 : i32
    %dma_wait3A_519 = tpu.memref_slice %arg8[%dma_wait3A_517, %dma_wait3A_518] : memref<32x64xf32, #tpu.memory_space<vmem>> -> memref<1x64xf32, #tpu.memory_space<vmem>>
    %dma_wait3A_520 = arith.constant 0 : i32
    %dma_wait3A_521 = tpu.memref_slice %arg4[%squeeze3A_30, %dma_wait3A_520] : memref<100000x64xf32, #tpu.memory_space<hbm>> -> memref<1x64xf32, #tpu.memory_space<hbm>>
    tpu.wait_dma2 semaphore(%arg9 : memref<!tpu.dma_semaphore, #tpu.memory_space<semaphore_mem>>) src(%dma_wait3A_521 : memref<1x64xf32, #tpu.memory_space<hbm>>) dst(%dma_wait3A_519 : memref<1x64xf32, #tpu.memory_space<vmem>>)
    %dma_wait3A_522 = arith.constant 13 : i32
    %dma_wait3A_523 = arith.constant 0 : i32
    %dma_wait3A_524 = tpu.memref_slice %arg8[%dma_wait3A_522, %dma_wait3A_523] : memref<32x64xf32, #tpu.memory_space<vmem>> -> memref<1x64xf32, #tpu.memory_space<vmem>>
    %dma_wait3A_525 = arith.constant 0 : i32
    %dma_wait3A_526 = tpu.memref_slice %arg4[%squeeze3A_32, %dma_wait3A_525] : memref<100000x64xf32, #tpu.memory_space<hbm>> -> memref<1x64xf32, #tpu.memory_space<hbm>>
    %dma_wait3A_527 = arith.constant 13 : i32
    %dma_wait3A_528 = arith.constant 0 : i32
    %dma_wait3A_529 = tpu.memref_slice %arg8[%dma_wait3A_527, %dma_wait3A_528] : memref<32x64xf32, #tpu.memory_space<vmem>> -> memref<1x64xf32, #tpu.memory_space<vmem>>
    %dma_wait3A_530 = arith.constant 0 : i32
    %dma_wait3A_531 = tpu.memref_slice %arg4[%squeeze3A_32, %dma_wait3A_530] : memref<100000x64xf32, #tpu.memory_space<hbm>> -> memref<1x64xf32, #tpu.memory_space<hbm>>
    tpu.wait_dma2 semaphore(%arg9 : memref<!tpu.dma_semaphore, #tpu.memory_space<semaphore_mem>>) src(%dma_wait3A_531 : memref<1x64xf32, #tpu.memory_space<hbm>>) dst(%dma_wait3A_529 : memref<1x64xf32, #tpu.memory_space<vmem>>)
    %dma_wait3A_532 = arith.constant 14 : i32
    %dma_wait3A_533 = arith.constant 0 : i32
    %dma_wait3A_534 = tpu.memref_slice %arg8[%dma_wait3A_532, %dma_wait3A_533] : memref<32x64xf32, #tpu.memory_space<vmem>> -> memref<1x64xf32, #tpu.memory_space<vmem>>
    %dma_wait3A_535 = arith.constant 0 : i32
    %dma_wait3A_536 = tpu.memref_slice %arg4[%squeeze3A_34, %dma_wait3A_535] : memref<100000x64xf32, #tpu.memory_space<hbm>> -> memref<1x64xf32, #tpu.memory_space<hbm>>
    %dma_wait3A_537 = arith.constant 14 : i32
    %dma_wait3A_538 = arith.constant 0 : i32
    %dma_wait3A_539 = tpu.memref_slice %arg8[%dma_wait3A_537, %dma_wait3A_538] : memref<32x64xf32, #tpu.memory_space<vmem>> -> memref<1x64xf32, #tpu.memory_space<vmem>>
    %dma_wait3A_540 = arith.constant 0 : i32
    %dma_wait3A_541 = tpu.memref_slice %arg4[%squeeze3A_34, %dma_wait3A_540] : memref<100000x64xf32, #tpu.memory_space<hbm>> -> memref<1x64xf32, #tpu.memory_space<hbm>>
    tpu.wait_dma2 semaphore(%arg9 : memref<!tpu.dma_semaphore, #tpu.memory_space<semaphore_mem>>) src(%dma_wait3A_541 : memref<1x64xf32, #tpu.memory_space<hbm>>) dst(%dma_wait3A_539 : memref<1x64xf32, #tpu.memory_space<vmem>>)
    %dma_wait3A_542 = arith.constant 15 : i32
    %dma_wait3A_543 = arith.constant 0 : i32
    %dma_wait3A_544 = tpu.memref_slice %arg8[%dma_wait3A_542, %dma_wait3A_543] : memref<32x64xf32, #tpu.memory_space<vmem>> -> memref<1x64xf32, #tpu.memory_space<vmem>>
    %dma_wait3A_545 = arith.constant 0 : i32
    %dma_wait3A_546 = tpu.memref_slice %arg4[%squeeze3A_36, %dma_wait3A_545] : memref<100000x64xf32, #tpu.memory_space<hbm>> -> memref<1x64xf32, #tpu.memory_space<hbm>>
    %dma_wait3A_547 = arith.constant 15 : i32
    %dma_wait3A_548 = arith.constant 0 : i32
    %dma_wait3A_549 = tpu.memref_slice %arg8[%dma_wait3A_547, %dma_wait3A_548] : memref<32x64xf32, #tpu.memory_space<vmem>> -> memref<1x64xf32, #tpu.memory_space<vmem>>
    %dma_wait3A_550 = arith.constant 0 : i32
    %dma_wait3A_551 = tpu.memref_slice %arg4[%squeeze3A_36, %dma_wait3A_550] : memref<100000x64xf32, #tpu.memory_space<hbm>> -> memref<1x64xf32, #tpu.memory_space<hbm>>
    tpu.wait_dma2 semaphore(%arg9 : memref<!tpu.dma_semaphore, #tpu.memory_space<semaphore_mem>>) src(%dma_wait3A_551 : memref<1x64xf32, #tpu.memory_space<hbm>>) dst(%dma_wait3A_549 : memref<1x64xf32, #tpu.memory_space<vmem>>)
    %dma_wait3A_552 = arith.constant 16 : i32
    %dma_wait3A_553 = arith.constant 0 : i32
    %dma_wait3A_554 = tpu.memref_slice %arg8[%dma_wait3A_552, %dma_wait3A_553] : memref<32x64xf32, #tpu.memory_space<vmem>> -> memref<1x64xf32, #tpu.memory_space<vmem>>
    %dma_wait3A_555 = arith.constant 0 : i32
    %dma_wait3A_556 = tpu.memref_slice %arg4[%squeeze3A_41, %dma_wait3A_555] : memref<100000x64xf32, #tpu.memory_space<hbm>> -> memref<1x64xf32, #tpu.memory_space<hbm>>
    %dma_wait3A_557 = arith.constant 16 : i32
    %dma_wait3A_558 = arith.constant 0 : i32
    %dma_wait3A_559 = tpu.memref_slice %arg8[%dma_wait3A_557, %dma_wait3A_558] : memref<32x64xf32, #tpu.memory_space<vmem>> -> memref<1x64xf32, #tpu.memory_space<vmem>>
    %dma_wait3A_560 = arith.constant 0 : i32
    %dma_wait3A_561 = tpu.memref_slice %arg4[%squeeze3A_41, %dma_wait3A_560] : memref<100000x64xf32, #tpu.memory_space<hbm>> -> memref<1x64xf32, #tpu.memory_space<hbm>>
    tpu.wait_dma2 semaphore(%arg9 : memref<!tpu.dma_semaphore, #tpu.memory_space<semaphore_mem>>) src(%dma_wait3A_561 : memref<1x64xf32, #tpu.memory_space<hbm>>) dst(%dma_wait3A_559 : memref<1x64xf32, #tpu.memory_space<vmem>>)
    %dma_wait3A_562 = arith.constant 17 : i32
    %dma_wait3A_563 = arith.constant 0 : i32
    %dma_wait3A_564 = tpu.memref_slice %arg8[%dma_wait3A_562, %dma_wait3A_563] : memref<32x64xf32, #tpu.memory_space<vmem>> -> memref<1x64xf32, #tpu.memory_space<vmem>>
    %dma_wait3A_565 = arith.constant 0 : i32
    %dma_wait3A_566 = tpu.memref_slice %arg4[%squeeze3A_43, %dma_wait3A_565] : memref<100000x64xf32, #tpu.memory_space<hbm>> -> memref<1x64xf32, #tpu.memory_space<hbm>>
    %dma_wait3A_567 = arith.constant 17 : i32
    %dma_wait3A_568 = arith.constant 0 : i32
    %dma_wait3A_569 = tpu.memref_slice %arg8[%dma_wait3A_567, %dma_wait3A_568] : memref<32x64xf32, #tpu.memory_space<vmem>> -> memref<1x64xf32, #tpu.memory_space<vmem>>
    %dma_wait3A_570 = arith.constant 0 : i32
    %dma_wait3A_571 = tpu.memref_slice %arg4[%squeeze3A_43, %dma_wait3A_570] : memref<100000x64xf32, #tpu.memory_space<hbm>> -> memref<1x64xf32, #tpu.memory_space<hbm>>
    tpu.wait_dma2 semaphore(%arg9 : memref<!tpu.dma_semaphore, #tpu.memory_space<semaphore_mem>>) src(%dma_wait3A_571 : memref<1x64xf32, #tpu.memory_space<hbm>>) dst(%dma_wait3A_569 : memref<1x64xf32, #tpu.memory_space<vmem>>)
    %dma_wait3A_572 = arith.constant 18 : i32
    %dma_wait3A_573 = arith.constant 0 : i32
    %dma_wait3A_574 = tpu.memref_slice %arg8[%dma_wait3A_572, %dma_wait3A_573] : memref<32x64xf32, #tpu.memory_space<vmem>> -> memref<1x64xf32, #tpu.memory_space<vmem>>
    %dma_wait3A_575 = arith.constant 0 : i32
    %dma_wait3A_576 = tpu.memref_slice %arg4[%squeeze3A_45, %dma_wait3A_575] : memref<100000x64xf32, #tpu.memory_space<hbm>> -> memref<1x64xf32, #tpu.memory_space<hbm>>
    %dma_wait3A_577 = arith.constant 18 : i32
    %dma_wait3A_578 = arith.constant 0 : i32
    %dma_wait3A_579 = tpu.memref_slice %arg8[%dma_wait3A_577, %dma_wait3A_578] : memref<32x64xf32, #tpu.memory_space<vmem>> -> memref<1x64xf32, #tpu.memory_space<vmem>>
    %dma_wait3A_580 = arith.constant 0 : i32
    %dma_wait3A_581 = tpu.memref_slice %arg4[%squeeze3A_45, %dma_wait3A_580] : memref<100000x64xf32, #tpu.memory_space<hbm>> -> memref<1x64xf32, #tpu.memory_space<hbm>>
    tpu.wait_dma2 semaphore(%arg9 : memref<!tpu.dma_semaphore, #tpu.memory_space<semaphore_mem>>) src(%dma_wait3A_581 : memref<1x64xf32, #tpu.memory_space<hbm>>) dst(%dma_wait3A_579 : memref<1x64xf32, #tpu.memory_space<vmem>>)
    %dma_wait3A_582 = arith.constant 19 : i32
    %dma_wait3A_583 = arith.constant 0 : i32
    %dma_wait3A_584 = tpu.memref_slice %arg8[%dma_wait3A_582, %dma_wait3A_583] : memref<32x64xf32, #tpu.memory_space<vmem>> -> memref<1x64xf32, #tpu.memory_space<vmem>>
    %dma_wait3A_585 = arith.constant 0 : i32
    %dma_wait3A_586 = tpu.memref_slice %arg4[%squeeze3A_47, %dma_wait3A_585] : memref<100000x64xf32, #tpu.memory_space<hbm>> -> memref<1x64xf32, #tpu.memory_space<hbm>>
    %dma_wait3A_587 = arith.constant 19 : i32
    %dma_wait3A_588 = arith.constant 0 : i32
    %dma_wait3A_589 = tpu.memref_slice %arg8[%dma_wait3A_587, %dma_wait3A_588] : memref<32x64xf32, #tpu.memory_space<vmem>> -> memref<1x64xf32, #tpu.memory_space<vmem>>
    %dma_wait3A_590 = arith.constant 0 : i32
    %dma_wait3A_591 = tpu.memref_slice %arg4[%squeeze3A_47, %dma_wait3A_590] : memref<100000x64xf32, #tpu.memory_space<hbm>> -> memref<1x64xf32, #tpu.memory_space<hbm>>
    tpu.wait_dma2 semaphore(%arg9 : memref<!tpu.dma_semaphore, #tpu.memory_space<semaphore_mem>>) src(%dma_wait3A_591 : memref<1x64xf32, #tpu.memory_space<hbm>>) dst(%dma_wait3A_589 : memref<1x64xf32, #tpu.memory_space<vmem>>)
    %dma_wait3A_592 = arith.constant 20 : i32
    %dma_wait3A_593 = arith.constant 0 : i32
    %dma_wait3A_594 = tpu.memref_slice %arg8[%dma_wait3A_592, %dma_wait3A_593] : memref<32x64xf32, #tpu.memory_space<vmem>> -> memref<1x64xf32, #tpu.memory_space<vmem>>
    %dma_wait3A_595 = arith.constant 0 : i32
    %dma_wait3A_596 = tpu.memref_slice %arg4[%squeeze3A_49, %dma_wait3A_595] : memref<100000x64xf32, #tpu.memory_space<hbm>> -> memref<1x64xf32, #tpu.memory_space<hbm>>
    %dma_wait3A_597 = arith.constant 20 : i32
    %dma_wait3A_598 = arith.constant 0 : i32
    %dma_wait3A_599 = tpu.memref_slice %arg8[%dma_wait3A_597, %dma_wait3A_598] : memref<32x64xf32, #tpu.memory_space<vmem>> -> memref<1x64xf32, #tpu.memory_space<vmem>>
    %dma_wait3A_600 = arith.constant 0 : i32
    %dma_wait3A_601 = tpu.memref_slice %arg4[%squeeze3A_49, %dma_wait3A_600] : memref<100000x64xf32, #tpu.memory_space<hbm>> -> memref<1x64xf32, #tpu.memory_space<hbm>>
    tpu.wait_dma2 semaphore(%arg9 : memref<!tpu.dma_semaphore, #tpu.memory_space<semaphore_mem>>) src(%dma_wait3A_601 : memref<1x64xf32, #tpu.memory_space<hbm>>) dst(%dma_wait3A_599 : memref<1x64xf32, #tpu.memory_space<vmem>>)
    %dma_wait3A_602 = arith.constant 21 : i32
    %dma_wait3A_603 = arith.constant 0 : i32
    %dma_wait3A_604 = tpu.memref_slice %arg8[%dma_wait3A_602, %dma_wait3A_603] : memref<32x64xf32, #tpu.memory_space<vmem>> -> memref<1x64xf32, #tpu.memory_space<vmem>>
    %dma_wait3A_605 = arith.constant 0 : i32
    %dma_wait3A_606 = tpu.memref_slice %arg4[%squeeze3A_51, %dma_wait3A_605] : memref<100000x64xf32, #tpu.memory_space<hbm>> -> memref<1x64xf32, #tpu.memory_space<hbm>>
    %dma_wait3A_607 = arith.constant 21 : i32
    %dma_wait3A_608 = arith.constant 0 : i32
    %dma_wait3A_609 = tpu.memref_slice %arg8[%dma_wait3A_607, %dma_wait3A_608] : memref<32x64xf32, #tpu.memory_space<vmem>> -> memref<1x64xf32, #tpu.memory_space<vmem>>
    %dma_wait3A_610 = arith.constant 0 : i32
    %dma_wait3A_611 = tpu.memref_slice %arg4[%squeeze3A_51, %dma_wait3A_610] : memref<100000x64xf32, #tpu.memory_space<hbm>> -> memref<1x64xf32, #tpu.memory_space<hbm>>
    tpu.wait_dma2 semaphore(%arg9 : memref<!tpu.dma_semaphore, #tpu.memory_space<semaphore_mem>>) src(%dma_wait3A_611 : memref<1x64xf32, #tpu.memory_space<hbm>>) dst(%dma_wait3A_609 : memref<1x64xf32, #tpu.memory_space<vmem>>)
    %dma_wait3A_612 = arith.constant 22 : i32
    %dma_wait3A_613 = arith.constant 0 : i32
    %dma_wait3A_614 = tpu.memref_slice %arg8[%dma_wait3A_612, %dma_wait3A_613] : memref<32x64xf32, #tpu.memory_space<vmem>> -> memref<1x64xf32, #tpu.memory_space<vmem>>
    %dma_wait3A_615 = arith.constant 0 : i32
    %dma_wait3A_616 = tpu.memref_slice %arg4[%squeeze3A_53, %dma_wait3A_615] : memref<100000x64xf32, #tpu.memory_space<hbm>> -> memref<1x64xf32, #tpu.memory_space<hbm>>
    %dma_wait3A_617 = arith.constant 22 : i32
    %dma_wait3A_618 = arith.constant 0 : i32
    %dma_wait3A_619 = tpu.memref_slice %arg8[%dma_wait3A_617, %dma_wait3A_618] : memref<32x64xf32, #tpu.memory_space<vmem>> -> memref<1x64xf32, #tpu.memory_space<vmem>>
    %dma_wait3A_620 = arith.constant 0 : i32
    %dma_wait3A_621 = tpu.memref_slice %arg4[%squeeze3A_53, %dma_wait3A_620] : memref<100000x64xf32, #tpu.memory_space<hbm>> -> memref<1x64xf32, #tpu.memory_space<hbm>>
    tpu.wait_dma2 semaphore(%arg9 : memref<!tpu.dma_semaphore, #tpu.memory_space<semaphore_mem>>) src(%dma_wait3A_621 : memref<1x64xf32, #tpu.memory_space<hbm>>) dst(%dma_wait3A_619 : memref<1x64xf32, #tpu.memory_space<vmem>>)
    %dma_wait3A_622 = arith.constant 23 : i32
    %dma_wait3A_623 = arith.constant 0 : i32
    %dma_wait3A_624 = tpu.memref_slice %arg8[%dma_wait3A_622, %dma_wait3A_623] : memref<32x64xf32, #tpu.memory_space<vmem>> -> memref<1x64xf32, #tpu.memory_space<vmem>>
    %dma_wait3A_625 = arith.constant 0 : i32
    %dma_wait3A_626 = tpu.memref_slice %arg4[%squeeze3A_55, %dma_wait3A_625] : memref<100000x64xf32, #tpu.memory_space<hbm>> -> memref<1x64xf32, #tpu.memory_space<hbm>>
    %dma_wait3A_627 = arith.constant 23 : i32
    %dma_wait3A_628 = arith.constant 0 : i32
    %dma_wait3A_629 = tpu.memref_slice %arg8[%dma_wait3A_627, %dma_wait3A_628] : memref<32x64xf32, #tpu.memory_space<vmem>> -> memref<1x64xf32, #tpu.memory_space<vmem>>
    %dma_wait3A_630 = arith.constant 0 : i32
    %dma_wait3A_631 = tpu.memref_slice %arg4[%squeeze3A_55, %dma_wait3A_630] : memref<100000x64xf32, #tpu.memory_space<hbm>> -> memref<1x64xf32, #tpu.memory_space<hbm>>
    tpu.wait_dma2 semaphore(%arg9 : memref<!tpu.dma_semaphore, #tpu.memory_space<semaphore_mem>>) src(%dma_wait3A_631 : memref<1x64xf32, #tpu.memory_space<hbm>>) dst(%dma_wait3A_629 : memref<1x64xf32, #tpu.memory_space<vmem>>)
    %dma_wait3A_632 = arith.constant 24 : i32
    %dma_wait3A_633 = arith.constant 0 : i32
    %dma_wait3A_634 = tpu.memref_slice %arg8[%dma_wait3A_632, %dma_wait3A_633] : memref<32x64xf32, #tpu.memory_space<vmem>> -> memref<1x64xf32, #tpu.memory_space<vmem>>
    %dma_wait3A_635 = arith.constant 0 : i32
    %dma_wait3A_636 = tpu.memref_slice %arg4[%squeeze3A_57, %dma_wait3A_635] : memref<100000x64xf32, #tpu.memory_space<hbm>> -> memref<1x64xf32, #tpu.memory_space<hbm>>
    %dma_wait3A_637 = arith.constant 24 : i32
    %dma_wait3A_638 = arith.constant 0 : i32
    %dma_wait3A_639 = tpu.memref_slice %arg8[%dma_wait3A_637, %dma_wait3A_638] : memref<32x64xf32, #tpu.memory_space<vmem>> -> memref<1x64xf32, #tpu.memory_space<vmem>>
    %dma_wait3A_640 = arith.constant 0 : i32
    %dma_wait3A_641 = tpu.memref_slice %arg4[%squeeze3A_57, %dma_wait3A_640] : memref<100000x64xf32, #tpu.memory_space<hbm>> -> memref<1x64xf32, #tpu.memory_space<hbm>>
    tpu.wait_dma2 semaphore(%arg9 : memref<!tpu.dma_semaphore, #tpu.memory_space<semaphore_mem>>) src(%dma_wait3A_641 : memref<1x64xf32, #tpu.memory_space<hbm>>) dst(%dma_wait3A_639 : memref<1x64xf32, #tpu.memory_space<vmem>>)
    %dma_wait3A_642 = arith.constant 25 : i32
    %dma_wait3A_643 = arith.constant 0 : i32
    %dma_wait3A_644 = tpu.memref_slice %arg8[%dma_wait3A_642, %dma_wait3A_643] : memref<32x64xf32, #tpu.memory_space<vmem>> -> memref<1x64xf32, #tpu.memory_space<vmem>>
    %dma_wait3A_645 = arith.constant 0 : i32
    %dma_wait3A_646 = tpu.memref_slice %arg4[%squeeze3A_59, %dma_wait3A_645] : memref<100000x64xf32, #tpu.memory_space<hbm>> -> memref<1x64xf32, #tpu.memory_space<hbm>>
    %dma_wait3A_647 = arith.constant 25 : i32
    %dma_wait3A_648 = arith.constant 0 : i32
    %dma_wait3A_649 = tpu.memref_slice %arg8[%dma_wait3A_647, %dma_wait3A_648] : memref<32x64xf32, #tpu.memory_space<vmem>> -> memref<1x64xf32, #tpu.memory_space<vmem>>
    %dma_wait3A_650 = arith.constant 0 : i32
    %dma_wait3A_651 = tpu.memref_slice %arg4[%squeeze3A_59, %dma_wait3A_650] : memref<100000x64xf32, #tpu.memory_space<hbm>> -> memref<1x64xf32, #tpu.memory_space<hbm>>
    tpu.wait_dma2 semaphore(%arg9 : memref<!tpu.dma_semaphore, #tpu.memory_space<semaphore_mem>>) src(%dma_wait3A_651 : memref<1x64xf32, #tpu.memory_space<hbm>>) dst(%dma_wait3A_649 : memref<1x64xf32, #tpu.memory_space<vmem>>)
    %dma_wait3A_652 = arith.constant 26 : i32
    %dma_wait3A_653 = arith.constant 0 : i32
    %dma_wait3A_654 = tpu.memref_slice %arg8[%dma_wait3A_652, %dma_wait3A_653] : memref<32x64xf32, #tpu.memory_space<vmem>> -> memref<1x64xf32, #tpu.memory_space<vmem>>
    %dma_wait3A_655 = arith.constant 0 : i32
    %dma_wait3A_656 = tpu.memref_slice %arg4[%squeeze3A_61, %dma_wait3A_655] : memref<100000x64xf32, #tpu.memory_space<hbm>> -> memref<1x64xf32, #tpu.memory_space<hbm>>
    %dma_wait3A_657 = arith.constant 26 : i32
    %dma_wait3A_658 = arith.constant 0 : i32
    %dma_wait3A_659 = tpu.memref_slice %arg8[%dma_wait3A_657, %dma_wait3A_658] : memref<32x64xf32, #tpu.memory_space<vmem>> -> memref<1x64xf32, #tpu.memory_space<vmem>>
    %dma_wait3A_660 = arith.constant 0 : i32
    %dma_wait3A_661 = tpu.memref_slice %arg4[%squeeze3A_61, %dma_wait3A_660] : memref<100000x64xf32, #tpu.memory_space<hbm>> -> memref<1x64xf32, #tpu.memory_space<hbm>>
    tpu.wait_dma2 semaphore(%arg9 : memref<!tpu.dma_semaphore, #tpu.memory_space<semaphore_mem>>) src(%dma_wait3A_661 : memref<1x64xf32, #tpu.memory_space<hbm>>) dst(%dma_wait3A_659 : memref<1x64xf32, #tpu.memory_space<vmem>>)
    %dma_wait3A_662 = arith.constant 27 : i32
    %dma_wait3A_663 = arith.constant 0 : i32
    %dma_wait3A_664 = tpu.memref_slice %arg8[%dma_wait3A_662, %dma_wait3A_663] : memref<32x64xf32, #tpu.memory_space<vmem>> -> memref<1x64xf32, #tpu.memory_space<vmem>>
    %dma_wait3A_665 = arith.constant 0 : i32
    %dma_wait3A_666 = tpu.memref_slice %arg4[%squeeze3A_63, %dma_wait3A_665] : memref<100000x64xf32, #tpu.memory_space<hbm>> -> memref<1x64xf32, #tpu.memory_space<hbm>>
    %dma_wait3A_667 = arith.constant 27 : i32
    %dma_wait3A_668 = arith.constant 0 : i32
    %dma_wait3A_669 = tpu.memref_slice %arg8[%dma_wait3A_667, %dma_wait3A_668] : memref<32x64xf32, #tpu.memory_space<vmem>> -> memref<1x64xf32, #tpu.memory_space<vmem>>
    %dma_wait3A_670 = arith.constant 0 : i32
    %dma_wait3A_671 = tpu.memref_slice %arg4[%squeeze3A_63, %dma_wait3A_670] : memref<100000x64xf32, #tpu.memory_space<hbm>> -> memref<1x64xf32, #tpu.memory_space<hbm>>
    tpu.wait_dma2 semaphore(%arg9 : memref<!tpu.dma_semaphore, #tpu.memory_space<semaphore_mem>>) src(%dma_wait3A_671 : memref<1x64xf32, #tpu.memory_space<hbm>>) dst(%dma_wait3A_669 : memref<1x64xf32, #tpu.memory_space<vmem>>)
    %dma_wait3A_672 = arith.constant 28 : i32
    %dma_wait3A_673 = arith.constant 0 : i32
    %dma_wait3A_674 = tpu.memref_slice %arg8[%dma_wait3A_672, %dma_wait3A_673] : memref<32x64xf32, #tpu.memory_space<vmem>> -> memref<1x64xf32, #tpu.memory_space<vmem>>
    %dma_wait3A_675 = arith.constant 0 : i32
    %dma_wait3A_676 = tpu.memref_slice %arg4[%squeeze3A_65, %dma_wait3A_675] : memref<100000x64xf32, #tpu.memory_space<hbm>> -> memref<1x64xf32, #tpu.memory_space<hbm>>
    %dma_wait3A_677 = arith.constant 28 : i32
    %dma_wait3A_678 = arith.constant 0 : i32
    %dma_wait3A_679 = tpu.memref_slice %arg8[%dma_wait3A_677, %dma_wait3A_678] : memref<32x64xf32, #tpu.memory_space<vmem>> -> memref<1x64xf32, #tpu.memory_space<vmem>>
    %dma_wait3A_680 = arith.constant 0 : i32
    %dma_wait3A_681 = tpu.memref_slice %arg4[%squeeze3A_65, %dma_wait3A_680] : memref<100000x64xf32, #tpu.memory_space<hbm>> -> memref<1x64xf32, #tpu.memory_space<hbm>>
    tpu.wait_dma2 semaphore(%arg9 : memref<!tpu.dma_semaphore, #tpu.memory_space<semaphore_mem>>) src(%dma_wait3A_681 : memref<1x64xf32, #tpu.memory_space<hbm>>) dst(%dma_wait3A_679 : memref<1x64xf32, #tpu.memory_space<vmem>>)
    %dma_wait3A_682 = arith.constant 29 : i32
    %dma_wait3A_683 = arith.constant 0 : i32
    %dma_wait3A_684 = tpu.memref_slice %arg8[%dma_wait3A_682, %dma_wait3A_683] : memref<32x64xf32, #tpu.memory_space<vmem>> -> memref<1x64xf32, #tpu.memory_space<vmem>>
    %dma_wait3A_685 = arith.constant 0 : i32
    %dma_wait3A_686 = tpu.memref_slice %arg4[%squeeze3A_67, %dma_wait3A_685] : memref<100000x64xf32, #tpu.memory_space<hbm>> -> memref<1x64xf32, #tpu.memory_space<hbm>>
    %dma_wait3A_687 = arith.constant 29 : i32
    %dma_wait3A_688 = arith.constant 0 : i32
    %dma_wait3A_689 = tpu.memref_slice %arg8[%dma_wait3A_687, %dma_wait3A_688] : memref<32x64xf32, #tpu.memory_space<vmem>> -> memref<1x64xf32, #tpu.memory_space<vmem>>
    %dma_wait3A_690 = arith.constant 0 : i32
    %dma_wait3A_691 = tpu.memref_slice %arg4[%squeeze3A_67, %dma_wait3A_690] : memref<100000x64xf32, #tpu.memory_space<hbm>> -> memref<1x64xf32, #tpu.memory_space<hbm>>
    tpu.wait_dma2 semaphore(%arg9 : memref<!tpu.dma_semaphore, #tpu.memory_space<semaphore_mem>>) src(%dma_wait3A_691 : memref<1x64xf32, #tpu.memory_space<hbm>>) dst(%dma_wait3A_689 : memref<1x64xf32, #tpu.memory_space<vmem>>)
    %dma_wait3A_692 = arith.constant 30 : i32
    %dma_wait3A_693 = arith.constant 0 : i32
    %dma_wait3A_694 = tpu.memref_slice %arg8[%dma_wait3A_692, %dma_wait3A_693] : memref<32x64xf32, #tpu.memory_space<vmem>> -> memref<1x64xf32, #tpu.memory_space<vmem>>
    %dma_wait3A_695 = arith.constant 0 : i32
    %dma_wait3A_696 = tpu.memref_slice %arg4[%squeeze3A_69, %dma_wait3A_695] : memref<100000x64xf32, #tpu.memory_space<hbm>> -> memref<1x64xf32, #tpu.memory_space<hbm>>
    %dma_wait3A_697 = arith.constant 30 : i32
    %dma_wait3A_698 = arith.constant 0 : i32
    %dma_wait3A_699 = tpu.memref_slice %arg8[%dma_wait3A_697, %dma_wait3A_698] : memref<32x64xf32, #tpu.memory_space<vmem>> -> memref<1x64xf32, #tpu.memory_space<vmem>>
    %dma_wait3A_700 = arith.constant 0 : i32
    %dma_wait3A_701 = tpu.memref_slice %arg4[%squeeze3A_69, %dma_wait3A_700] : memref<100000x64xf32, #tpu.memory_space<hbm>> -> memref<1x64xf32, #tpu.memory_space<hbm>>
    tpu.wait_dma2 semaphore(%arg9 : memref<!tpu.dma_semaphore, #tpu.memory_space<semaphore_mem>>) src(%dma_wait3A_701 : memref<1x64xf32, #tpu.memory_space<hbm>>) dst(%dma_wait3A_699 : memref<1x64xf32, #tpu.memory_space<vmem>>)
    %dma_wait3A_702 = arith.constant 31 : i32
    %dma_wait3A_703 = arith.constant 0 : i32
    %dma_wait3A_704 = tpu.memref_slice %arg8[%dma_wait3A_702, %dma_wait3A_703] : memref<32x64xf32, #tpu.memory_space<vmem>> -> memref<1x64xf32, #tpu.memory_space<vmem>>
    %dma_wait3A_705 = arith.constant 0 : i32
    %dma_wait3A_706 = tpu.memref_slice %arg4[%squeeze3A_71, %dma_wait3A_705] : memref<100000x64xf32, #tpu.memory_space<hbm>> -> memref<1x64xf32, #tpu.memory_space<hbm>>
    %dma_wait3A_707 = arith.constant 31 : i32
    %dma_wait3A_708 = arith.constant 0 : i32
    %dma_wait3A_709 = tpu.memref_slice %arg8[%dma_wait3A_707, %dma_wait3A_708] : memref<32x64xf32, #tpu.memory_space<vmem>> -> memref<1x64xf32, #tpu.memory_space<vmem>>
    %dma_wait3A_710 = arith.constant 0 : i32
    %dma_wait3A_711 = tpu.memref_slice %arg4[%squeeze3A_71, %dma_wait3A_710] : memref<100000x64xf32, #tpu.memory_space<hbm>> -> memref<1x64xf32, #tpu.memory_space<hbm>>
    tpu.wait_dma2 semaphore(%arg9 : memref<!tpu.dma_semaphore, #tpu.memory_space<semaphore_mem>>) src(%dma_wait3A_711 : memref<1x64xf32, #tpu.memory_space<hbm>>) dst(%dma_wait3A_709 : memref<1x64xf32, #tpu.memory_space<vmem>>)
    "tpu.region"() ({
      %run_scoped3A = tpu.sem_alloc : memref<!tpu.dma_semaphore, #tpu.memory_space<semaphore_mem>>
      %dma_start3A_712 = arith.constant 0 : i32
      %dma_start3A_713 = tpu.memref_slice %arg5[%mul3A_2, %dma_start3A_712] : memref<1024x64xf32, #tpu.memory_space<hbm>> -> memref<32x64xf32, #tpu.memory_space<hbm>>
      %dma_start3A_714 = arith.constant 0 : i32
      %dma_start3A_715 = tpu.memref_slice %arg5[%mul3A_2, %dma_start3A_714] : memref<1024x64xf32, #tpu.memory_space<hbm>> -> memref<32x64xf32, #tpu.memory_space<hbm>>
      tpu.enqueue_dma source(%arg8 : memref<32x64xf32, #tpu.memory_space<vmem>>) target(%dma_start3A_715 : memref<32x64xf32, #tpu.memory_space<hbm>>) target_semaphore(%run_scoped3A : memref<!tpu.dma_semaphore, #tpu.memory_space<semaphore_mem>>)
      %dma_wait3A_716 = arith.constant 0 : i32
      %dma_wait3A_717 = tpu.memref_slice %arg5[%mul3A_2, %dma_wait3A_716] : memref<1024x64xf32, #tpu.memory_space<hbm>> -> memref<32x64xf32, #tpu.memory_space<hbm>>
      %dma_wait3A_718 = arith.constant 0 : i32
      %dma_wait3A_719 = tpu.memref_slice %arg5[%mul3A_2, %dma_wait3A_718] : memref<1024x64xf32, #tpu.memory_space<hbm>> -> memref<32x64xf32, #tpu.memory_space<hbm>>
      tpu.wait_dma2 semaphore(%run_scoped3A : memref<!tpu.dma_semaphore, #tpu.memory_space<semaphore_mem>>) src(%arg8 : memref<32x64xf32, #tpu.memory_space<vmem>>) dst(%dma_wait3A_719 : memref<32x64xf32, #tpu.memory_space<hbm>>)
      tpu.yield
    }) : () -> ()
    return
  }
}

module attributes {stable_mosaic.version = 14 : i64} {
  func.func @_tc_body(%arg0: i32, %arg1: memref<1024x64xf32, #tpu.memory_space<vmem>>, %arg2: memref<64x8192xbf16, #tpu.memory_space<vmem>>, %arg3: memref<1024x64xf32, #tpu.memory_space<vmem>>, %arg4: memref<1x1xf32, #tpu.memory_space<vmem>>, %arg5: memref<1024x64xbf16, #tpu.memory_space<vmem>>, %arg6: memref<1024x1xf32, #tpu.memory_space<vmem>>, %arg7: memref<1024x1xf32, #tpu.memory_space<vmem>>) attributes {dimension_semantics = [#tpu.dimension_semantics<arbitrary>], iteration_bounds = array<i64: 12>, scalar_prefetch = 0 : i64, scratch_operands = 3 : i64, tpu.core_type = #tpu.core_type<tc>, window_params = [{pipeline_mode = #tpu.pipeline_mode<synchronous>, transform_indices = @transform_0, window_bounds = array<i64: 1024, 64>}, {transform_indices = @transform_1, window_bounds = array<i64: 64, 8192>}, {pipeline_mode = #tpu.pipeline_mode<synchronous>, transform_indices = @transform_2, window_bounds = array<i64: 1024, 64>}, {pipeline_mode = #tpu.pipeline_mode<synchronous>, transform_indices = @transform_3, window_bounds = array<i64: 1, 1>}]} {
    %eq3A = arith.constant 0 : i32
    %eq3A_0 = arith.cmpi eq, %arg0, %eq3A : i32
    %convert_element_type3A = arith.extui %eq3A_0 : i1 to i32
    %cond3A = arith.constant 0 : i32
    %cond3A_1 = arith.cmpi ne, %convert_element_type3A, %cond3A : i32
    scf.if %cond3A_1 {
      %get3A_19 = arith.constant 0 : index
      %get3A_20 = arith.constant 0 : index
      %get3A_21 = vector.load %arg1[%get3A_19, %get3A_20] : memref<1024x64xf32, #tpu.memory_space<vmem>>, vector<1024x64xf32>
      %mul3A = arith.mulf %get3A_21, %get3A_21 : vector<1024x64xf32>
      %reduce_sum3A_22 = arith.constant dense<0.000000e+00> : vector<1024xf32>
      %reduce_sum3A_23 = vector.multi_reduction <add>, %mul3A, %reduce_sum3A_22 [1] : vector<1024x64xf32> to vector<1024xf32>
      %broadcast_in_dim3A_24 = vector.shape_cast %reduce_sum3A_23 : vector<1024xf32> to vector<1024x1xf32>
      %sqrt3A = math.sqrt %broadcast_in_dim3A_24 : vector<1024x1xf32>
      %max3A = arith.constant 9.99999996E-13 : f32
      %max3A_25 = vector.broadcast %max3A : f32 to vector<1024x1xf32>
      %max3A_26 = arith.maximumf %sqrt3A, %max3A_25 : vector<1024x1xf32>
      %div3A = vector.broadcast %max3A_26 : vector<1024x1xf32> to vector<1024x64xf32>
      %div3A_27 = arith.divf %get3A_21, %div3A : vector<1024x64xf32>
      %mul3A_28 = arith.constant 2.000000e+01 : f32
      %mul3A_29 = vector.broadcast %mul3A_28 : f32 to vector<1024x64xf32>
      %mul3A_30 = arith.mulf %div3A_27, %mul3A_29 : vector<1024x64xf32>
      %convert_element_type3A_31 = arith.truncf %mul3A_30 : vector<1024x64xf32> to vector<1024x64xbf16>
      %swap3A_32 = arith.constant 0 : index
      %swap3A_33 = arith.constant 0 : index
      %swap3A_34 = vector.load %arg5[%swap3A_32, %swap3A_33] : memref<1024x64xbf16, #tpu.memory_space<vmem>>, vector<1024x64xbf16>
      tpu.vector_store %arg5[%swap3A_32, %swap3A_33], %convert_element_type3A_31 {strides = array<i32>} : memref<1024x64xbf16, #tpu.memory_space<vmem>>, vector<1024x64xbf16>,
      %get3A_35 = arith.constant 0 : index
      %get3A_36 = arith.constant 0 : index
      %get3A_37 = vector.load %arg3[%get3A_35, %get3A_36] : memref<1024x64xf32, #tpu.memory_space<vmem>>, vector<1024x64xf32>
      %mul3A_38 = arith.mulf %div3A_27, %get3A_37 : vector<1024x64xf32>
      %reduce_sum3A_39 = arith.constant dense<0.000000e+00> : vector<1024xf32>
      %reduce_sum3A_40 = vector.multi_reduction <add>, %mul3A_38, %reduce_sum3A_39 [1] : vector<1024x64xf32> to vector<1024xf32>
      %broadcast_in_dim3A_41 = vector.shape_cast %reduce_sum3A_40 : vector<1024xf32> to vector<1024x1xf32>
      %mul3A_42 = arith.constant 2.000000e+01 : f32
      %mul3A_43 = vector.broadcast %mul3A_42 : f32 to vector<1024x1xf32>
      %mul3A_44 = arith.mulf %broadcast_in_dim3A_41, %mul3A_43 : vector<1024x1xf32>
      %swap3A_45 = arith.constant 0 : index
      %swap3A_46 = arith.constant 0 : index
      %swap3A_47 = vector.load %arg7[%swap3A_45, %swap3A_46] : memref<1024x1xf32, #tpu.memory_space<vmem>>, vector<1024x1xf32>
      tpu.vector_store %arg7[%swap3A_45, %swap3A_46], %mul3A_44 {strides = array<i32>} : memref<1024x1xf32, #tpu.memory_space<vmem>>, vector<1024x1xf32>,
      %broadcast_in_dim3A_48 = arith.constant 0.000000e+00 : f32
      %broadcast_in_dim3A_49 = vector.broadcast %broadcast_in_dim3A_48 : f32 to vector<1024x1xf32>
      %swap3A_50 = arith.constant 0 : index
      %swap3A_51 = arith.constant 0 : index
      %swap3A_52 = vector.load %arg6[%swap3A_50, %swap3A_51] : memref<1024x1xf32, #tpu.memory_space<vmem>>, vector<1024x1xf32>
      tpu.vector_store %arg6[%swap3A_50, %swap3A_51], %broadcast_in_dim3A_49 {strides = array<i32>} : memref<1024x1xf32, #tpu.memory_space<vmem>>, vector<1024x1xf32>,
    } else {
    }
    %get3A = arith.constant 0 : index
    %get3A_2 = arith.constant 0 : index
    %get3A_3 = vector.load %arg5[%get3A, %get3A_2] : memref<1024x64xbf16, #tpu.memory_space<vmem>>, vector<1024x64xbf16>
    %get3A_4 = arith.constant 0 : index
    %get3A_5 = arith.constant 0 : index
    %get3A_6 = vector.load %arg2[%get3A_4, %get3A_5] : memref<64x8192xbf16, #tpu.memory_space<vmem>>, vector<64x8192xbf16>
    %dot_general3A = arith.constant dense<0.000000e+00> : vector<1024x8192xf32>
    %dot_general3A_7 = tpu.matmul %get3A_3, %get3A_6, %dot_general3A {dimension_numbers = #tpu.dot_dimension_numbers<[1], [0], [0], [1], [0, 0, 1, 1], [], []>, transpose_lhs_hint = false} : vector<1024x64xbf16>, vector<64x8192xbf16>, vector<1024x8192xf32> -> vector<1024x8192xf32>
    %get3A_8 = arith.constant 0 : index
    %get3A_9 = arith.constant 0 : index
    %get3A_10 = vector.load %arg6[%get3A_8, %get3A_9] : memref<1024x1xf32, #tpu.memory_space<vmem>>, vector<1024x1xf32>
    %exp3A = math.exp %dot_general3A_7 : vector<1024x8192xf32>
    %reduce_sum3A = arith.constant dense<0.000000e+00> : vector<1024xf32>
    %reduce_sum3A_11 = vector.multi_reduction <add>, %exp3A, %reduce_sum3A [1] : vector<1024x8192xf32> to vector<1024xf32>
    %broadcast_in_dim3A = vector.shape_cast %reduce_sum3A_11 : vector<1024xf32> to vector<1024x1xf32>
    %add3A = arith.addf %get3A_10, %broadcast_in_dim3A : vector<1024x1xf32>
    %swap3A = arith.constant 0 : index
    %swap3A_12 = arith.constant 0 : index
    %swap3A_13 = vector.load %arg6[%swap3A, %swap3A_12] : memref<1024x1xf32, #tpu.memory_space<vmem>>, vector<1024x1xf32>
    tpu.vector_store %arg6[%swap3A, %swap3A_12], %add3A {strides = array<i32>} : memref<1024x1xf32, #tpu.memory_space<vmem>>, vector<1024x1xf32>,
    %eq3A_14 = arith.constant 11 : i32
    %eq3A_15 = arith.cmpi eq, %arg0, %eq3A_14 : i32
    %convert_element_type3A_16 = arith.extui %eq3A_15 : i1 to i32
    %cond3A_17 = arith.constant 0 : i32
    %cond3A_18 = arith.cmpi ne, %convert_element_type3A_16, %cond3A_17 : i32
    scf.if %cond3A_18 {
      %get3A_19 = arith.constant 0 : index
      %get3A_20 = arith.constant 0 : index
      %get3A_21 = vector.load %arg6[%get3A_19, %get3A_20] : memref<1024x1xf32, #tpu.memory_space<vmem>>, vector<1024x1xf32>
      %sub3A = arith.constant 2.400000e+03 : f32
      %sub3A_22 = vector.broadcast %sub3A : f32 to vector<1024x1xf32>
      %sub3A_23 = arith.subf %get3A_21, %sub3A_22 : vector<1024x1xf32>
      %log3A = math.log %sub3A_23 : vector<1024x1xf32>
      %get3A_24 = arith.constant 0 : index
      %get3A_25 = arith.constant 0 : index
      %get3A_26 = vector.load %arg7[%get3A_24, %get3A_25] : memref<1024x1xf32, #tpu.memory_space<vmem>>, vector<1024x1xf32>
      %sub3A_27 = arith.subf %log3A, %get3A_26 : vector<1024x1xf32>
      %reduce_sum3A_28 = vector.shape_cast %sub3A_27 : vector<1024x1xf32> to vector<1x1024x1xf32>
      %reduce_sum3A_29 = arith.constant dense<0.000000e+00> : vector<1xf32>
      %reduce_sum3A_30 = vector.multi_reduction <add>, %reduce_sum3A_28, %reduce_sum3A_29 [1, 2] : vector<1x1024x1xf32> to vector<1xf32>
      %reduce_sum3A_31 = vector.shape_cast %reduce_sum3A_30 : vector<1xf32> to vector<1x1x1xf32>
      %reduce_sum3A_32 = vector.extract %reduce_sum3A_31[0, 0, 0] : f32 from vector<1x1x1xf32>
      %div3A = arith.constant 1.024000e+03 : f32
      %div3A_33 = arith.divf %reduce_sum3A_32, %div3A : f32
      %reshape3A = vector.broadcast %div3A_33 : f32 to vector<1x1xf32>
      %swap3A_34 = arith.constant 0 : index
      %swap3A_35 = arith.constant 0 : index
      %swap3A_36 = vector.load %arg4[%swap3A_34, %swap3A_35] : memref<1x1xf32, #tpu.memory_space<vmem>>, vector<1x1xf32>
      tpu.vector_store %arg4[%swap3A_34, %swap3A_35], %reshape3A {strides = array<i32>} : memref<1x1xf32, #tpu.memory_space<vmem>>, vector<1x1xf32>,
    } else {
    }
    return
  }
  func.func @transform_0(%arg0: i32) -> (i32, i32) {
    %c0_i32 = arith.constant 0 : i32
    %c0_i32_0 = arith.constant 0 : i32
    %c0_i32_1 = arith.constant 0 : i32
    return %c0_i32, %c0_i32_0 : i32, i32
  }
  func.func @transform_1(%arg0: i32) -> (i32, i32) {
    %c0_i32 = arith.constant 0 : i32
    %c0_i32_0 = arith.constant 0 : i32
    return %c0_i32, %arg0 : i32, i32
  }
  func.func @transform_2(%arg0: i32) -> (i32, i32) {
    %c0_i32 = arith.constant 0 : i32
    %c0_i32_0 = arith.constant 0 : i32
    %c0_i32_1 = arith.constant 0 : i32
    return %c0_i32, %c0_i32_0 : i32, i32
  }
  func.func @transform_3(%arg0: i32) -> (i32, i32) {
    %c0_i32 = arith.constant 0 : i32
    %c0_i32_0 = arith.constant 0 : i32
    %c0_i32_1 = arith.constant 0 : i32
    return %c0_i32, %c0_i32_0 : i32, i32
  }
}

</mosaic_0001>

<sc_bundles>
// kernel: kernel.4.cloned.1.call-start
scs
__scs_entry_jumppad:
0x0: {  	(pc) =	sbr.rel $0x88, $3  }
0x1: {  	(tag) =	ssettag $0x0;
	lr =	simm.s32 $0x1  }
0x2: {  	[smem:$0x3F9D] =	sst lr;
	_ =	strace $0xD0000000  }
0x3: {  	_ = 	snop  }
0x4: {  	_ = 	snop  }
0x5: {  	_ = 	snop  }
0x6: {  	_ = 	snop  }
0x7: {  	_ = 	snop  }
__scs_overlays_trampoline_lowered:
0x8: {  	[smem:$0x3FAC] =	sst s0  }
0x9: {  	[smem:$0x3FAD] =	sst s1  }
0xa: {  	[smem:$0x3FAE] =	sst s2  }
0xb: {  	[smem:$0x3FAF] =	sst s3  }
0xc: {  	[smem:$0x3FB0] =	sst s4  }
0xd: {  	[smem:$0x3FB1] =	sst s5  }
0xe: {  	[smem:$0x3FB2] =	sst s6  }
0xf: {  	[smem:$0x3FB3] =	sst s7  }
0x10: {  	[smem:$0x3FB4] =	sst s8  }
0x11: {  	[smem:$0x3FB5] =	sst s9;
	s0 =	simm.s32 @!p0 $0x0  }
0x12: {  	s1 =	sld [smem:$0x3F9B];
	s0 =	simm.s32 @p0 $0x1  }
0x13: {  	[smem:$0x3FB6] =	sst s0;
	s0 =	simm.s32 @!p1 $0x0  }
0x14: {  	s2 =	sld [smem:$0x3F9A];
	s0 =	simm.s32 @p1 $0x1  }
0x15: {  	[smem:$0x3FB7] =	sst s0;
	s0 =	simm.s32 @!p2 $0x0  }
0x16: {  	s3 =	sld [smem:$0x3FDB];
	s0 =	simm.s32 @p2 $0x1  }
0x17: {  	s4 =	simm.s32 $0x1BF5;
	[smem:$0x3FB9] =	sst s0  }
0x18: {  	s0 =	sld [smem:$0x3F9C];
	_ =	swait.ge [sflag:s4], $0x0  }
0x19: {  	s7 =	sld [smem:$0x3F9D]  }
0x1a: {  	s8 =	sadd.s32 $0xFFFFE003, lr  }
0x1b: {  	s9 =	sadd.s32 $0xFFFFFEF7, lr;
	s5 =	simm.s32 $0xFFFFFFFF;
	p2 =	slt.u32 s8, $0xFFFFF086  }
0x1c: {  	p1 =	slt.u32 s9, $0xF7A;
	s5 =	simm.s32 @!p2 $0x0  }
0x1d: {  	s5 =	simm.s32 @p1 $0x1;
	p0 =	seq.s32 s7, s2  }
0x1e: {  	s7 =	smul.u32 @!p0 $0xF7A, s2;
	p2 =	seq.s32 @!p0 s5, $0x0  }
0x1f: {  	s9 =	smul.u32 $0xF7A, s1;
	s8 =	simm.s32 @!p0 $0x1BF5;
	p2 =	por !p2, p0  }
0x20: {  	[sflag:s8] =	ssyncset.s32 @!p0 $0xFFFFF086;
	s6 =	sadd.s32 @!p0 s3, s7;
	s7 =	simm.s32 @!p0 $0x108  }
0x21: {  	s3 =	sadd.s32 s3, s9;
	s6 =	sadd.s32 @!p0 $0x88, s6;
	s7 =	simm.s32 @p2 $0x1082  }
0x22: {  	[simem:s7], [sflag:s8] =	dma.local @!p0 [hbm:s6], $0xF7A  }
0x23: {  	s9 =	sor.u32 $0xD0000000, s2;
	s6 =	simm.s32 $0x108;
	_ =	swait.ge @!p0 [sflag:s8], $0x0  }
0x24: {  	s3 =	sadd.s32 $0x88, s3;
	s6 =	simm.s32 @!p1 $0x1082;
	[sflag:s4] =	ssyncset.s32 $0xFFFFF086  }
0x25: {  	[simem:s6], [sflag:s4] =	dma.local [hbm:s3], $0xF7A  }
0x26: {  	[smem:$0x3F9D] =	sst s1;
	(tag) =	ssettag s2;
	_ =	strace s9  }
0x27: {  	s1 =	sld [smem:$0x3FAD]  }
0x28: {  	s2 =	sld [smem:$0x3FAE]  }
0x29: {  	s4 =	sld [smem:$0x3FB0]  }
0x2a: {  	p0 =	seq.s32 s5, $0x0;
	s5 =	sld [smem:$0x3FB1]  }
0x2b: {  	s6 =	sld [smem:$0x3FB2]  }
0x2c: {  	s7 =	sld [smem:$0x3FB3]  }
0x2d: {  	s3 =	simm.s32 $0x108;
	s8 =	sld [smem:$0x3FB4]  }
0x2e: {  	s3 =	simm.s32 @!p0 $0x1082;
	s9 =	sld [smem:$0x3FB5]  }
0x2f: {  	lr =	sadd.s32 s0, s3;
	s0 =	sld [smem:$0x3FAC]  }
0x30: {  	s3 =	sld [smem:$0x3FAF]  }
0x31: {  	[smem:$0x3FB8] =	sst s10  }
0x32: {  	s10 =	sld [smem:$0x3FB6];
	_ =	sdelay $0x3  }
0x33: {  	p0 =	seq.s32 s10, $0x1;
	s10 =	sld [smem:$0x3FB8];
	_ =	sdelay $0x3  }
0x34: {  	[smem:$0x3FB8] =	sst s10  }
0x35: {  	s10 =	sld [smem:$0x3FB7];
	_ =	sdelay $0x3  }
0x36: {  	p1 =	seq.s32 s10, $0x1;
	s10 =	sld [smem:$0x3FB8];
	_ =	sdelay $0x3  }
0x37: {  	[smem:$0x3FB8] =	sst s10  }
0x38: {  	s10 =	sld [smem:$0x3FB9]  }
0x39: {  	_ = 	snop;
	(pc) =	sbr.ind lr, $3  }
0x3a: {  	_ = 	snop  }
0x3b: {  	_ = 	snop  }
0x3c: {  	p2 =	seq.s32 s10, $0x1;
	s10 =	sld [smem:$0x3FB8]  }
0x3d: {  	_ =	shalt  }
0x3e: {  	_ =	shalt  }
0x3f: {  	_ =	shalt  }
0x40: {  	_ =	shalt  }
0x41: {  	_ =	shalt  }
0x42: {  	_ =	shalt  }
0x43: {  	_ =	shalt  }
0x44: {  	_ =	shalt  }
0x45: {  	_ =	shalt  }
0x46: {  	_ =	shalt  }
0x47: {  	_ =	shalt  }
0x48: {  	_ =	shalt  }
0x49: {  	_ =	shalt  }
0x4a: {  	_ =	shalt  }
0x4b: {  	_ =	shalt  }
0x4c: {  	_ =	shalt  }
0x4d: {  	_ =	shalt  }
0x4e: {  	_ =	shalt  }
0x4f: {  	_ =	shalt  }
0x50: {  	_ =	shalt  }
0x51: {  	_ =	shalt  }
0x52: {  	_ =	shalt  }
0x53: {  	_ =	shalt  }
0x54: {  	_ =	shalt  }
0x55: {  	_ =	shalt  }
0x56: {  	_ =	shalt  }
0x57: {  	_ =	shalt  }
0x58: {  	_ =	shalt  }
0x59: {  	_ =	shalt  }
0x5a: {  	_ =	shalt  }
0x5b: {  	_ =	shalt  }
0x5c: {  	_ =	shalt  }
0x5d: {  	_ =	shalt  }
0x5e: {  	_ =	shalt  }
0x5f: {  	_ =	shalt  }
0x60: {  	_ =	shalt  }
0x61: {  	_ =	shalt  }
0x62: {  	_ =	shalt  }
0x63: {  	_ =	shalt  }
0x64: {  	_ =	shalt  }
0x65: {  	_ =	shalt  }
0x66: {  	_ =	shalt  }
0x67: {  	_ =	shalt  }
0x68: {  	_ =	shalt  }
0x69: {  	_ =	shalt  }
0x6a: {  	_ =	shalt  }
0x6b: {  	_ =	shalt  }
0x6c: {  	_ =	shalt  }
0x6d: {  	_ =	shalt  }
0x6e: {  	_ =	shalt  }
0x6f: {  	_ =	shalt  }
0x70: {  	_ =	shalt  }
0x71: {  	_ =	shalt  }
0x72: {  	_ =	shalt  }
0x73: {  	_ =	shalt  }
0x74: {  	_ =	shalt  }
0x75: {  	_ =	shalt  }
0x76: {  	_ =	shalt  }
0x77: {  	_ =	shalt  }
0x78: {  	_ =	shalt  }
0x79: {  	_ =	shalt  }
0x7a: {  	_ =	shalt  }
0x7b: {  	_ =	shalt  }
0x7c: {  	_ =	shalt  }
0x7d: {  	_ =	shalt  }
0x7e: {  	_ =	shalt  }
0x7f: {  	_ =	shalt  }
0x80: {  	_ =	shalt  }
0x81: {  	_ =	shalt  }
0x82: {  	_ =	shalt  }
0x83: {  	_ =	shalt  }
0x84: {  	_ =	shalt  }
0x85: {  	_ =	shalt  }
0x86: {  	_ =	shalt  }
0x87: {  	_ =	shalt  }
.Lfunc_end0:
.L_simem_size_0:
called_computation_lowered:
.L_overlay_start_0:
0x88: {  	s2 =	sld [smem:$0x3FD9]  }
0x89: {  	s3 =	sld [smem:$0x3FFE];
	_ =	sdelay $0x1  }
0x8a: {  	s1 =	srdreg.scid  }
0x8b: {  	s0 =	sand.u32 $0x1, s1  }
0x8c: {  	s17 =	sshll.u32 s0, $0xA;
	s2 =	sadd.s32 s3, s2  }
0x8d: {  	s2 =	sadd.s32 s2, s17  }
0x8e: {  	[smem:$0x3FC4] =	sst s2  }
0x8f: {  	_ = 	snop  }
0x90: {  	s2 =	sld [smem:$0x3FC8]  }
0x91: {  	s18 =	sld [smem:$0x3FC6];
	(tm) =	ssettm $0x1  }
0x92: {  	s4 =	sld [smem:$0x3FFB];
	_ =	sdelay $0x3  }
0x93: {  	_ =	strace s4  }
0x94: {  	s4 =	sld [smem:$0x3FFC];
	_ =	sdelay $0x3  }
0x95: {  	_ =	strace s4  }
0x96: {  	s4 =	sld [smem:$0x3FFD];
	_ =	sdelay $0x3  }
0x97: {  	_ =	strace s4  }
0x98: {  	_ =	strace $0x8FFFFFFF  }
0x99: {  	s19 =	sld [smem:$0x3FDB];
	_ =	sdelay $0x1  }
0x9a: {  	s5 =	simm.s32 $_scs_section_size  }
0x9b: {  	s6 =	simm.s32 $_size__tile_overlayer_lowered;
	s7 =	simm.s32 $_tile_overlayer_lowered  }
0x9c: {  	s22 =	simm.s32 $0x1BFF;
	s21 =	sshll.u32 s7, $0x1;
	s4 =	sadd.s32 s5, s19  }
0x9d: {  	s8 =	simm.s32 $0x0;
	s20 =	sshll.u32 s6, $0x1;
	s6 =	sadd.s32 s21, s4  }
0x9e: {  	[timem:s8], [sflag:s22] =	dma.local [hbm:s6], s20  }
0x9f: {  	_ =	swait.ge [sflag:s22], s20  }
0xa0: {  	s5 =	ssub.s32 $0x0, s20;
	[sflag:s22] =	ssyncset.done $0x0  }
0xa1: {  	[sflag:s22] =	ssyncadd.s32 s5;
	_ =	sdelay $0x1  }
0xa2: {  	s23 =	simm.s32 $0x1B8B  }
0xa3: {  	_ =	swait.ge [sflag:s23], $0x1  }
0xa4: {  	[sflag:s23] =	ssyncset.done $0x0  }
0xa5: {  	s25 =	simm.s32 $0x1B8E;
	s24 =	sld [smem:$0x3FFE];
	[sflag:s23] =	ssyncadd.s32 $0xFFFFFFFF  }
0xa6: {  	s26 =	simm.s32 $execute0_lowered;
	[smem:$0x3FD2] =	sst s25  }
0xa7: {  	s6 =	sshll.u32 s26, $0x1;
	_ =	strace $0x80000046;
	[dreg:$0x1] =	wrdreg $0xFFFFFFFF  }
0xa8: {  	s28 =	simm.s32 $_size_execute0_lowered;
	s4 =	sadd.s32 s4, s6;
	[dreg:$0x0] =	wrdreg $0x0  }
0xa9: {  	s6 =	sshll.u32 s28, $0x1;
	[dreg:$0x2] =	wrdreg s4  }
0xaa: {  	[dreg:$0x3] =	wrdreg s6  }
0xab: {  	[dreg:$0x4] =	wrdreg $0xC0  }
0xac: {  	_ =	task [dreg:s8], $0x5FFFF  }
0xad: {  	[dreg:$0x1] =	wrdreg $0xFFFFFFFF  }
0xae: {  	[dreg:$0x0] =	wrdreg $0x60  }
0xaf: {  	[dreg:$0x2] =	wrdreg s2  }
0xb0: {  	[dreg:$0x3] =	wrdreg s18  }
0xb1: {  	[dreg:$0x4] =	wrdreg s24  }
0xb2: {  	[dreg:$0x5] =	wrdreg $0x9  }
0xb3: {  	_ =	task.clear_ibuf [dreg:s8], $0x6FFFF;
	_ =	strace $0x90000046  }
0xb4: {  	s29 =	simm.s32 $0x9;
	_ =	strace $0x80000048  }
0xb5: {  	_ =	swait.ge [sflag:s29], $0x1  }
0xb6: {  	[sflag:s29] =	ssyncadd.s32 $0xFFFFFFFF  }
0xb7: {  	_ =	strace $0x90000048  }
0xb8: {  	_ =	sfence  }
0xb9: {  	s30 =	sld [smem:$0x0];
	_ =	sdelay $0x2  }
0xba: {  	s31 =	sshll.u32 s1, $0xD;
	s1 =	sshrl.u32 s1, $0x2  }
0xbb: {  	s3 =	sand.u32 $0x4000, s31;
	s1 =	sadd.s32 s1, s30  }
0xbc: {  	s0 =	sor.u32 s3, s0;
	s1 =	sshll.u32 s1, $0x11  }
0xbd: {  	s0 =	sor.u32 s1, s0  }
0xbe: {  	s0 =	sadd.s32 $0x8F2B, s0  }
0xbf: {  	[sflag:s0] =	ssyncadd.remote.s32 $0x1  }
0xc0: {  	_ =	sfence.sel $0xFFFF  }
0xc1: {  	[dreg:$0x0] =	wrdreg $0xFFFFFFFF;
	(pc) =	sbr.abs _section_cstart, $3  }
0xc2: {  	[dreg:$0x1] =	wrdreg $0xFFFFFFFF  }
0xc3: {  	_ =	task.clear_ibuf [dreg:s8], $0x2FFFF;
	_ =	strace $0x9FFFFFFF  }
0xc4: {  	(tm) =	ssettm $0x7FFFFFFF  }
0xc5: {  	_ =	shalt  }
tec
execute0_lowered:
.L_overlay_start_1:
0x0: {  	(tag) =	ssettag $0x1  }
0x1: {  	s3 =	rddreg [dreg:$0x0]  }
0x2: {  	s0 =	rddreg [dreg:$0x1]  }
0x3: {  	s5 =	rddreg [dreg:$0x2]  }
0x4: {  	s2 =	simm.s32 $0x0;
	[dreg:$0x4] =	wrdreg s0  }
0x5: {  	s22 =	simm.s32 $0x20;
	[smem:$0x7FF] =	sst s2  }
0x6: {  	s23 =	simm.s32 $0x80;
	_ =	strace $0x80000047;
	[dreg:$0x7] =	wrdreg s22  }
0x7: {  	s24 =	simm.s32 $0x180;
	[dreg:$0x8] =	wrdreg s23  }
0x8: {  	s25 =	simm.s32 $0x200;
	[dreg:$0x9] =	wrdreg s24  }
0x9: {  	s26 =	simm.s32 $0x280;
	[dreg:$0xa] =	wrdreg s25  }
0xa: {  	s28 =	simm.s32 $0x300;
	[dreg:$0xb] =	wrdreg s26  }
0xb: {  	s29 =	simm.s32 $0x380;
	[dreg:$0xc] =	wrdreg s28  }
0xc: {  	s30 =	simm.s32 $0x400;
	[dreg:$0xd] =	wrdreg s29  }
0xd: {  	s31 =	simm.s32 $0x480;
	[dreg:$0xe] =	wrdreg s30  }
0xe: {  	s1 =	srdreg.scid;
	s0 =	simm.s32 $0x500;
	[dreg:$0xf] =	wrdreg s31  }
0xf: {  	s7 =	sand.u32 $0x1, s1;
	s1 =	simm.s32 $0x580;
	[dreg:$0x10] =	wrdreg s0  }
0x10: {  	s8 =	simm.s32 $0x700;
	[dreg:$0x11] =	wrdreg s1  }
0x11: {  	s9 =	simm.s32 $0x780;
	[dreg:$0x14] =	wrdreg s8  }
0x12: {  	s10 =	simm.s32 $0x800;
	[dreg:$0x15] =	wrdreg s9  }
0x13: {  	s11 =	simm.s32 $0x880;
	[dreg:$0x16] =	wrdreg s10  }
0x14: {  	s12 =	simm.s32 $0x900;
	[dreg:$0x17] =	wrdreg s11  }
0x15: {  	s13 =	simm.s32 $0x980;
	[dreg:$0x18] =	wrdreg s12  }
0x16: {  	s14 =	simm.s32 $0xA00;
	[dreg:$0x19] =	wrdreg s13  }
0x17: {  	s15 =	simm.s32 $0xA80;
	[dreg:$0x1a] =	wrdreg s14  }
0x18: {  	s16 =	simm.s32 $0xB00;
	[dreg:$0x1b] =	wrdreg s15  }
0x19: {  	s17 =	simm.s32 $0xB80;
	[dreg:$0x1c] =	wrdreg s16  }
0x1a: {  	s18 =	simm.s32 $0xC00;
	[dreg:$0x1d] =	wrdreg s17  }
0x1b: {  	s20 =	stileid.u32;
	s19 =	simm.s32 $0xC80;
	[dreg:$0x1e] =	wrdreg s18  }
0x1c: {  	s4 =	sshll.u32 s20, $0x6;
	s20 =	simm.s32 $0xD00;
	[dreg:$0x1f] =	wrdreg s19  }
0x1d: {  	[smem:$0x7F6] =	sst s20;
	s22 =	simm.s32 $0xE00  }
0x1e: {  	s23 =	simm.s32 $0xE80;
	[smem:$0x7F8] =	sst s22  }
0x1f: {  	s6 =	sshll.u32 s7, $0x5;
	s24 =	simm.s32 $0xF00;
	[smem:$0x7F9] =	sst s23  }
0x20: {  	s25 =	simm.s32 $0xF80;
	s26 =	simm.s32 $0x1000;
	[smem:$0x7FA] =	sst s24  }
0x21: {  	s29 =	simm.s32 $0x1080;
	s4 =	sor.u32 s6, s4;
	[smem:$0x7FB] =	sst s25  }
0x22: {  	[smem:$0x7FC] =	sst s26;
	s6 =	sshll.u32 s4, $0x4;
	s4 =	sshrl.u32 s4, $0x3  }
0x23: {  	[smem:$0x7FD] =	sst s29;
	s3 =	sadd.s32 s3, s4  }
0x24: {  	s6 =	sadd.s32 s6, s5;
	s4 =	simm.s32 $0x600;
	[dreg:$0x5] =	wrdreg s3  }
0x25: {  	s21 =	sadd.s32 $0x188E00, s6;
	[dreg:$0x12] =	wrdreg s4  }
0x26: {  	s6 =	simm.s32 $0x680;
	[dreg:$0x6] =	wrdreg s21  }
0x27: {  	[dreg:$0x13] =	wrdreg s6  }
0x28: {  	s21 =	simm.s32 $0xD80;
	s28 =	rddreg [dreg:$0x5]  }
0x29: {  	s30 =	simm.s32 $0x2;
	[smem:$0x7F7] =	sst s21  }
0x2a: {  	[tilespmem:s2], [sflag:$0x2] =	stream.linear.gather [hbm4b:s28+s2], $0x20, $0x38;
	[tilespmem:$0x1100] =	vst v63  }
0x2b: {  	_ =	swait.ge [sflag:s30], $0x20  }
0x2c: {  	s31 =	rddreg [dreg:$0x8]  }
0x2d: {  	s8 =	rddreg [dreg:$0x4];
	[sflag:s30] =	ssyncset.done $0x0  }
0x2e: {  	s4 =	simm.s32 $0x1;
	s9 =	rddreg [dreg:$0x7];
	[sflag:s30] =	ssyncadd.s32 $0xFFFFFFE0  }
0x2f: {  	[tilespmem:s31], [sflag:$0x1] =	stream.indirect.gather [hbm4b:s8+s9], $0x1, s2, s9, $0xb8;
	[tilespmem:$0x1100] =	vst v63  }
0x30: {  	_ =	swait.ge [sflag:s4], $0x20  }
0x31: {  	[sflag:s4] =	ssyncset.done $0x0  }
0x32: {  	[sflag:s4] =	ssyncadd.s32 $0xFFFFFFE0  }
0x33: {  	v0 =	vld [tilespmem:$0x80];
	_ =	sdelay $0x4  }
0x34: {  	v0 =	vshll.u32 v0, $0x4  }
0x35: {  	(v2sf) =	vpush v0, $0xE  }
0x36: {  	(v2sf) =	vpush v0, $0x2  }
0x37: {  	(v2sf) =	vpush v0, $0x1  }
0x38: {  	(v2sf) =	vpush v0, $0x3  }
0x39: {  	(v2sf) =	vpush v0, $0x0;
	_ =	sdelay $0x5  }
0x3a: {  	(v2sf) =	vpush v0, $0x4;
	_ =	sdelay $0x1  }
0x3b: {  	(v2sf) =	vpush v0, $0xF;
	_ =	sdelay $0x1  }
0x3c: {  	(v2sf) =	vpush v0, $0x5  }
0x3d: {  	s8 =	spop (v2sf)  }
0x3e: {  	s13 =	rddreg [dreg:$0x9];
	(v2sf) =	vpush v0, $0x6;
	s1 =	spop (v2sf)  }
0x3f: {  	s6 =	sadd.s32 $0x2400, s5;
	s5 =	rddreg [dreg:$0xa];
	(v2sf) =	vpush v0, $0x7;
	s10 =	spop (v2sf)  }
0x40: {  	s14 =	rddreg [dreg:$0xb];
	s11 =	spop (v2sf)  }
0x41: {  	s16 =	rddreg [dreg:$0xc];
	(v2sf) =	vpush v0, $0x8;
	s12 =	spop (v2sf)  }
0x42: {  	s3 =	simm.s32 $0x100;
	s19 =	rddreg [dreg:$0xd];
	s12 =	sand.u32 $0x1FFFFFF0, s12  }
0x43: {  	s20 =	rddreg [dreg:$0xe];
	s10 =	sand.u32 $0x1FFFFFF0, s10;
	(v2sf) =	vpush v0, $0x9;
	s12 =	sadd.s32 s6, s12  }
0x44: {  	v1 =	vld [tilespmem:$0x90];
	[tilespmem:s3], [sflag:$0x1] =	stream.linear.gather [hbm4b:s12+s2], $0x80, $0x38  }
0x45: {  	s24 =	rddreg [dreg:$0xf];
	s9 =	sand.u32 $0x1FFFFFF0, s1;
	s10 =	sadd.s32 s6, s10;
	(v2sf) =	vpush v0, $0xA  }
0x46: {  	[tilespmem:s13], [sflag:$0x1] =	stream.linear.gather [hbm4b:s10+s2], $0x80, $0x38;
	[tilespmem:$0x1100] =	vst v63  }
0x47: {  	s9 =	sadd.s32 s6, s9;
	s11 =	sand.u32 $0x1FFFFFF0, s11;
	s15 =	spop (v2sf);
	(v2sf) =	vpush v0, $0xB  }
0x48: {  	[tilespmem:s5], [sflag:$0x1] =	stream.linear.gather [hbm4b:s9+s2], $0x80, $0x38;
	[tilespmem:$0x1100] =	vst v63  }
0x49: {  	s11 =	sadd.s32 s6, s11;
	s17 =	sand.u32 $0x1FFFFFF0, s15;
	s9 =	spop (v2sf)  }
0x4a: {  	[tilespmem:s14], [sflag:$0x1] =	stream.linear.gather [hbm4b:s11+s2], $0x80, $0x38;
	[tilespmem:$0x1100] =	vst v63  }
0x4b: {  	s25 =	rddreg [dreg:$0x10];
	s10 =	sadd.s32 s6, s17;
	(v2sf) =	vpush v0, $0xC;
	s18 =	spop (v2sf)  }
0x4c: {  	v1 =	vshll.u32 v1, $0x4;
	[tilespmem:s16], [sflag:$0x1] =	stream.linear.gather [hbm4b:s10+s2], $0x80, $0x38;
	[tilespmem:$0x1100] =	vst v63  }
0x4d: {  	s29 =	rddreg [dreg:$0x11];
	s11 =	sand.u32 $0x1FFFFFF0, s18;
	s21 =	spop (v2sf);
	(v2sf) =	vpush v1, $0x7  }
0x4e: {  	s11 =	sadd.s32 s6, s11;
	s22 =	sand.u32 $0x1FFFFFF0, s21;
	s23 =	spop (v2sf)  }
0x4f: {  	(v2sf) =	vpush v1, $0x0;
	[tilespmem:s19], [sflag:$0x1] =	stream.linear.gather [hbm4b:s11+s2], $0x80, $0x38;
	[tilespmem:$0x1100] =	vst v63  }
0x50: {  	s12 =	sand.u32 $0x1FFFFFF0, s23;
	s11 =	sadd.s32 s6, s22;
	s26 =	spop (v2sf)  }
0x51: {  	[tilespmem:s20], [sflag:$0x1] =	stream.linear.gather [hbm4b:s11+s2], $0x80, $0x38;
	[tilespmem:$0x1100] =	vst v63  }
0x52: {  	s12 =	sadd.s32 s6, s12;
	s28 =	spop (v2sf);
	s11 =	sand.u32 $0x1FFFFFF0, s26  }
0x53: {  	[tilespmem:s24], [sflag:$0x1] =	stream.linear.gather [hbm4b:s12+s2], $0x80, $0x38;
	[tilespmem:$0x1100] =	vst v63  }
0x54: {  	s31 =	spop (v2sf);
	s11 =	sadd.s32 s6, s11;
	s12 =	sand.u32 $0x1FFFFFF0, s28  }
0x55: {  	[tilespmem:s25], [sflag:$0x1] =	stream.linear.gather [hbm4b:s11+s2], $0x80, $0x38;
	[tilespmem:$0x1100] =	vst v63  }
0x56: {  	s0 =	spop (v2sf);
	s12 =	sadd.s32 s6, s12;
	s11 =	sand.u32 $0x1FFFFFF0, s31  }
0x57: {  	[tilespmem:s29], [sflag:$0x1] =	stream.linear.gather [hbm4b:s12+s2], $0x80, $0x38;
	[tilespmem:$0x1100] =	vst v63  }
0x58: {  	s30 =	rddreg [dreg:$0x12];
	s11 =	sadd.s32 s6, s11;
	s12 =	sand.u32 $0x1FFFFFF0, s0  }
0x59: {  	[tilespmem:s30], [sflag:$0x1] =	stream.linear.gather [hbm4b:s11+s2], $0x80, $0x38;
	[tilespmem:$0x1100] =	vst v63  }
0x5a: {  	s1 =	rddreg [dreg:$0x13];
	(v2sf) =	vpush v0, $0xD;
	s5 =	spop (v2sf);
	s12 =	sadd.s32 s6, s12  }
0x5b: {  	(v2sf) =	vpush v1, $0x1;
	[tilespmem:s1], [sflag:$0x1] =	stream.linear.gather [hbm4b:s12+s2], $0x80, $0x38;
	[tilespmem:$0x1100] =	vst v63  }
0x5c: {  	s12 =	spop (v2sf);
	(v2sf) =	vpush v1, $0x4;
	_ =	sdelay $0x1  }
0x5d: {  	s14 =	spop (v2sf);
	(v2sf) =	vpush v1, $0x2;
	_ =	sdelay $0x7  }
0x5e: {  	s11 =	sand.u32 $0x1FFFFFF0, s5  }
0x5f: {  	s3 =	rddreg [dreg:$0x14];
	s11 =	sadd.s32 s6, s11;
	(v2sf) =	vpush v1, $0x5  }
0x60: {  	[tilespmem:s3], [sflag:$0x1] =	stream.linear.gather [hbm4b:s11+s2], $0x80, $0x38;
	(v2sf) =	vpush v1, $0x3;
	[tilespmem:$0x1100] =	vst v63  }
0x61: {  	s16 =	spop (v2sf)  }
0x62: {  	s11 =	sand.u32 $0x1FFFFFF0, s16;
	s21 =	spop (v2sf)  }
0x63: {  	s15 =	rddreg [dreg:$0x15];
	s11 =	sadd.s32 s6, s11;
	s23 =	spop (v2sf);
	(v2sf) =	vpush v1, $0x8  }
0x64: {  	[tilespmem:s15], [sflag:$0x1] =	stream.linear.gather [hbm4b:s11+s2], $0x80, $0x38;
	[tilespmem:$0x1100] =	vst v63  }
0x65: {  	s8 =	sand.u32 $0x1FFFFFF0, s8;
	s25 =	spop (v2sf);
	(v2sf) =	vpush v1, $0x6  }
0x66: {  	s8 =	sadd.s32 s6, s8;
	s17 =	rddreg [dreg:$0x16];
	s9 =	sand.u32 $0x1FFFFFF0, s9  }
0x67: {  	[tilespmem:s17], [sflag:$0x1] =	stream.linear.gather [hbm4b:s8+s2], $0x80, $0x38;
	[tilespmem:$0x1100] =	vst v63  }
0x68: {  	s18 =	rddreg [dreg:$0x17];
	s9 =	sadd.s32 s6, s9;
	s20 =	sand.u32 $0x1FFFFFF0, s14  }
0x69: {  	[tilespmem:s18], [sflag:$0x1] =	stream.linear.gather [hbm4b:s9+s2], $0x80, $0x38;
	[tilespmem:$0x1100] =	vst v63  }
0x6a: {  	s19 =	rddreg [dreg:$0x18];
	s8 =	sadd.s32 s6, s20;
	s9 =	sand.u32 $0x1FFFFFF0, s21  }
0x6b: {  	[tilespmem:s19], [sflag:$0x1] =	stream.linear.gather [hbm4b:s8+s2], $0x80, $0x38;
	[tilespmem:$0x1100] =	vst v63  }
0x6c: {  	s22 =	rddreg [dreg:$0x19];
	s9 =	sadd.s32 s6, s9  }
0x6d: {  	[tilespmem:s22], [sflag:$0x1] =	stream.linear.gather [hbm4b:s9+s2], $0x80, $0x38;
	(v2sf) =	vpush v1, $0x9;
	[tilespmem:$0x1100] =	vst v63  }
0x6e: {  	s10 =	sand.u32 $0x1FFFFFF0, s25;
	s26 =	spop (v2sf)  }
0x6f: {  	s24 =	rddreg [dreg:$0x1a];
	s10 =	sadd.s32 s6, s10;
	s29 =	spop (v2sf)  }
0x70: {  	[tilespmem:s24], [sflag:$0x1] =	stream.linear.gather [hbm4b:s10+s2], $0x80, $0x38;
	[tilespmem:$0x1100] =	vst v63  }
0x71: {  	s10 =	sand.u32 $0x1FFFFFF0, s29  }
0x72: {  	s28 =	rddreg [dreg:$0x1b];
	s10 =	sadd.s32 s6, s10;
	s1 =	spop (v2sf);
	(v2sf) =	vpush v1, $0xA  }
0x73: {  	[tilespmem:s28], [sflag:$0x1] =	stream.linear.gather [hbm4b:s10+s2], $0x80, $0x38;
	[tilespmem:$0x1100] =	vst v63  }
0x74: {  	s31 =	rddreg [dreg:$0x1d];
	s8 =	sand.u32 $0x1FFFFFF0, s23;
	s5 =	spop (v2sf);
	(v2sf) =	vpush v1, $0xB  }
0x75: {  	s30 =	rddreg [dreg:$0x1c];
	s8 =	sadd.s32 s6, s8;
	s0 =	sand.u32 $0x1FFFFFF0, s26  }
0x76: {  	[tilespmem:s30], [sflag:$0x1] =	stream.linear.gather [hbm4b:s8+s2], $0x80, $0x38;
	[tilespmem:$0x1100] =	vst v63  }
0x77: {  	s3 =	rddreg [dreg:$0x1e];
	s9 =	sadd.s32 s6, s0  }
0x78: {  	[tilespmem:s31], [sflag:$0x1] =	stream.linear.gather [hbm4b:s9+s2], $0x80, $0x38;
	[tilespmem:$0x1100] =	vst v63  }
0x79: {  	s14 =	sld [smem:$0x7F6];
	s9 =	sand.u32 $0x1FFFFFF0, s5;
	(v2sf) =	vpush v1, $0xC  }
0x7a: {  	s13 =	sand.u32 $0x1FFFFFF0, s12;
	s11 =	rddreg [dreg:$0x1f];
	s9 =	sadd.s32 s6, s9  }
0x7b: {  	[tilespmem:s3], [sflag:$0x1] =	stream.linear.gather [hbm4b:s9+s2], $0x80, $0x38;
	[tilespmem:$0x1100] =	vst v63  }
0x7c: {  	s15 =	sand.u32 $0x1FFFFFF0, s1;
	s17 =	spop (v2sf);
	(v2sf) =	vpush v1, $0xD;
	s9 =	sadd.s32 s6, s13  }
0x7d: {  	[tilespmem:s11], [sflag:$0x1] =	stream.linear.gather [hbm4b:s9+s2], $0x80, $0x38;
	[tilespmem:$0x1100] =	vst v63  }
0x7e: {  	s16 =	sld [smem:$0x7F7];
	s9 =	sadd.s32 s6, s15  }
0x7f: {  	[tilespmem:s14], [sflag:$0x1] =	stream.linear.gather [hbm4b:s9+s2], $0x80, $0x38;
	[tilespmem:$0x1100] =	vst v63  }
0x80: {  	s9 =	sand.u32 $0x1FFFFFF0, s17  }
0x81: {  	s9 =	sadd.s32 s6, s9;
	s18 =	spop (v2sf);
	(v2sf) =	vpush v1, $0xE  }
0x82: {  	[tilespmem:s16], [sflag:$0x1] =	stream.linear.gather [hbm4b:s9+s2], $0x80, $0x38;
	[tilespmem:$0x1100] =	vst v63  }
0x83: {  	s19 =	sld [smem:$0x7F8];
	s20 =	spop (v2sf);
	(v2sf) =	vpush v1, $0xF  }
0x84: {  	s8 =	sand.u32 $0x1FFFFFF0, s18  }
0x85: {  	s21 =	sld [smem:$0x7F9];
	s8 =	sadd.s32 s6, s8  }
0x86: {  	[tilespmem:s19], [sflag:$0x1] =	stream.linear.gather [hbm4b:s8+s2], $0x80, $0x38;
	[tilespmem:$0x1100] =	vst v63  }
0x87: {  	s8 =	sand.u32 $0x1FFFFFF0, s20  }
0x88: {  	s23 =	sld [smem:$0x7FA];
	s22 =	spop (v2sf);
	s8 =	sadd.s32 s6, s8  }
0x89: {  	[tilespmem:s21], [sflag:$0x1] =	stream.linear.gather [hbm4b:s8+s2], $0x80, $0x38;
	[tilespmem:$0x1100] =	vst v63  }
0x8a: {  	s8 =	sand.u32 $0x1FFFFFF0, s22  }
0x8b: {  	s25 =	sld [smem:$0x7FB];
	s24 =	spop (v2sf);
	s8 =	sadd.s32 s6, s8  }
0x8c: {  	[tilespmem:s23], [sflag:$0x1] =	stream.linear.gather [hbm4b:s8+s2], $0x80, $0x38;
	[tilespmem:$0x1100] =	vst v63  }
0x8d: {  	s8 =	sand.u32 $0x1FFFFFF0, s24  }
0x8e: {  	s8 =	sadd.s32 s6, s8  }
0x8f: {  	[tilespmem:s25], [sflag:$0x1] =	stream.linear.gather [hbm4b:s8+s2], $0x80, $0x38;
	[tilespmem:$0x1100] =	vst v63  }
0x90: {  	s28 =	sld [smem:$0x7FC];
	s26 =	spop (v2sf)  }
0x91: {  	s8 =	sand.u32 $0x1FFFFFF0, s26  }
0x92: {  	s30 =	sld [smem:$0x7FD];
	s29 =	spop (v2sf);
	s8 =	sadd.s32 s6, s8  }
0x93: {  	[tilespmem:s28], [sflag:$0x1] =	stream.linear.gather [hbm4b:s8+s2], $0x80, $0x38;
	[tilespmem:$0x1100] =	vst v63  }
0x94: {  	s8 =	sand.u32 $0x1FFFFFF0, s29  }
0x95: {  	s8 =	sadd.s32 s6, s8  }
0x96: {  	[tilespmem:s30], [sflag:$0x1] =	stream.linear.gather [hbm4b:s8+s2], $0x80, $0x38;
	[tilespmem:$0x1100] =	vst v63  }
0x97: {  	_ =	swait.ge [sflag:s4], $0x80  }
0x98: {  	[sflag:s4] =	ssyncset.done $0x0  }
0x99: {  	[sflag:s4] =	ssyncadd.s32 $0xFFFFFF80  }
0x9a: {  	_ =	swait.ge [sflag:s4], $0x80  }
0x9b: {  	[sflag:s4] =	ssyncset.done $0x0  }
0x9c: {  	[sflag:s4] =	ssyncadd.s32 $0xFFFFFF80  }
0x9d: {  	_ =	swait.ge [sflag:s4], $0x80  }
0x9e: {  	[sflag:s4] =	ssyncset.done $0x0  }
0x9f: {  	[sflag:s4] =	ssyncadd.s32 $0xFFFFFF80  }
0xa0: {  	_ =	swait.ge [sflag:s4], $0x80  }
0xa1: {  	[sflag:s4] =	ssyncset.done $0x0  }
0xa2: {  	[sflag:s4] =	ssyncadd.s32 $0xFFFFFF80  }
0xa3: {  	_ =	swait.ge [sflag:s4], $0x80  }
0xa4: {  	[sflag:s4] =	ssyncset.done $0x0  }
0xa5: {  	[sflag:s4] =	ssyncadd.s32 $0xFFFFFF80  }
0xa6: {  	_ =	swait.ge [sflag:s4], $0x80  }
0xa7: {  	[sflag:s4] =	ssyncset.done $0x0  }
0xa8: {  	[sflag:s4] =	ssyncadd.s32 $0xFFFFFF80  }
0xa9: {  	_ =	swait.ge [sflag:s4], $0x80  }
0xaa: {  	[sflag:s4] =	ssyncset.done $0x0  }
0xab: {  	[sflag:s4] =	ssyncadd.s32 $0xFFFFFF80  }
0xac: {  	_ =	swait.ge [sflag:s4], $0x80  }
0xad: {  	[sflag:s4] =	ssyncset.done $0x0  }
0xae: {  	[sflag:s4] =	ssyncadd.s32 $0xFFFFFF80  }
0xaf: {  	_ =	swait.ge [sflag:s4], $0x80  }
0xb0: {  	[sflag:s4] =	ssyncset.done $0x0  }
0xb1: {  	[sflag:s4] =	ssyncadd.s32 $0xFFFFFF80  }
0xb2: {  	_ =	swait.ge [sflag:s4], $0x80  }
0xb3: {  	[sflag:s4] =	ssyncset.done $0x0  }
0xb4: {  	[sflag:s4] =	ssyncadd.s32 $0xFFFFFF80  }
0xb5: {  	_ =	swait.ge [sflag:s4], $0x80  }
0xb6: {  	[sflag:s4] =	ssyncset.done $0x0  }
0xb7: {  	[sflag:s4] =	ssyncadd.s32 $0xFFFFFF80  }
0xb8: {  	_ =	swait.ge [sflag:s4], $0x80  }
0xb9: {  	[sflag:s4] =	ssyncset.done $0x0  }
0xba: {  	[sflag:s4] =	ssyncadd.s32 $0xFFFFFF80  }
0xbb: {  	_ =	swait.ge [sflag:s4], $0x80  }
0xbc: {  	[sflag:s4] =	ssyncset.done $0x0  }
0xbd: {  	[sflag:s4] =	ssyncadd.s32 $0xFFFFFF80  }
0xbe: {  	_ =	swait.ge [sflag:s4], $0x80  }
0xbf: {  	[sflag:s4] =	ssyncset.done $0x0  }
0xc0: {  	[sflag:s4] =	ssyncadd.s32 $0xFFFFFF80  }
0xc1: {  	_ =	swait.ge [sflag:s4], $0x80  }
0xc2: {  	[sflag:s4] =	ssyncset.done $0x0  }
0xc3: {  	[sflag:s4] =	ssyncadd.s32 $0xFFFFFF80  }
0xc4: {  	_ =	swait.ge [sflag:s4], $0x80  }
0xc5: {  	[sflag:s4] =	ssyncset.done $0x0  }
0xc6: {  	[sflag:s4] =	ssyncadd.s32 $0xFFFFFF80  }
0xc7: {  	_ =	swait.ge [sflag:s4], $0x80  }
0xc8: {  	[sflag:s4] =	ssyncset.done $0x0  }
0xc9: {  	[sflag:s4] =	ssyncadd.s32 $0xFFFFFF80  }
0xca: {  	_ =	swait.ge [sflag:s4], $0x80  }
0xcb: {  	[sflag:s4] =	ssyncset.done $0x0  }
0xcc: {  	[sflag:s4] =	ssyncadd.s32 $0xFFFFFF80  }
0xcd: {  	_ =	swait.ge [sflag:s4], $0x80  }
0xce: {  	[sflag:s4] =	ssyncset.done $0x0  }
0xcf: {  	[sflag:s4] =	ssyncadd.s32 $0xFFFFFF80  }
0xd0: {  	_ =	swait.ge [sflag:s4], $0x80  }
0xd1: {  	[sflag:s4] =	ssyncset.done $0x0  }
0xd2: {  	[sflag:s4] =	ssyncadd.s32 $0xFFFFFF80  }
0xd3: {  	_ =	swait.ge [sflag:s4], $0x80  }
0xd4: {  	[sflag:s4] =	ssyncset.done $0x0  }
0xd5: {  	[sflag:s4] =	ssyncadd.s32 $0xFFFFFF80  }
0xd6: {  	_ =	swait.ge [sflag:s4], $0x80  }
0xd7: {  	[sflag:s4] =	ssyncset.done $0x0  }
0xd8: {  	[sflag:s4] =	ssyncadd.s32 $0xFFFFFF80  }
0xd9: {  	_ =	swait.ge [sflag:s4], $0x80  }
0xda: {  	[sflag:s4] =	ssyncset.done $0x0  }
0xdb: {  	[sflag:s4] =	ssyncadd.s32 $0xFFFFFF80  }
0xdc: {  	_ =	swait.ge [sflag:s4], $0x80  }
0xdd: {  	[sflag:s4] =	ssyncset.done $0x0  }
0xde: {  	[sflag:s4] =	ssyncadd.s32 $0xFFFFFF80  }
0xdf: {  	_ =	swait.ge [sflag:s4], $0x80  }
0xe0: {  	[sflag:s4] =	ssyncset.done $0x0  }
0xe1: {  	[sflag:s4] =	ssyncadd.s32 $0xFFFFFF80  }
0xe2: {  	_ =	swait.ge [sflag:s4], $0x80  }
0xe3: {  	[sflag:s4] =	ssyncset.done $0x0  }
0xe4: {  	[sflag:s4] =	ssyncadd.s32 $0xFFFFFF80  }
0xe5: {  	_ =	swait.ge [sflag:s4], $0x80  }
0xe6: {  	s7 =	ssub.s32 $0x2, s7;
	[sflag:s4] =	ssyncset.done $0x0  }
0xe7: {  	s31 =	sshrl.u32 s7, $0x1;
	[sflag:s4] =	ssyncadd.s32 $0xFFFFFF80  }
0xe8: {  	s7 =	ssub.s32 s7, s31;
	_ =	swait.ge [sflag:s4], $0x80  }
0xe9: {  	s7 =	smax.u32 s7, $0x1;
	[sflag:s4] =	ssyncset.done $0x0  }
0xea: {  	p0 =	sne.s32 s7, $0x1;
	[sflag:s4] =	ssyncadd.s32 $0xFFFFFF80  }
.Ltmp0:
0xeb: {  	_ =	swait.ge [sflag:s4], $0x80;
	(pc) =	sbr.rel @!p0 .LBB2_3-.Ltmp0, $4  }
0xec: {  	[sflag:s4] =	ssyncset.done $0x0  }
0xed: {  	[sflag:s4] =	ssyncadd.s32 $0xFFFFFF80  }
0xee: {  	_ =	swait.ge [sflag:s4], $0x80  }
0xef: {  	s16 =	sadd.s32 $0xFFFFFFFF, s7;
	[sflag:s4] =	ssyncset.done $0x0  }
0xf0: {  	s17 =	simm.s32 $0x100  }
.LBB2_2:
0xf1: {  	[sflag:s4] =	ssyncadd.s32 $0xFFFFFF80  }
0xf2: {  	_ =	swait.ge [sflag:s4], $0x80  }
0xf3: {  	[sflag:s4] =	ssyncset.done $0x0  }
0xf4: {  	[sflag:s4] =	ssyncadd.s32 $0xFFFFFF80  }
0xf5: {  	_ =	swait.ge [sflag:s4], $0x80  }
0xf6: {  	[sflag:s4] =	ssyncset.done $0x0  }
0xf7: {  	s0 =	simm.s32 $0x2;
	s8 =	rddreg [dreg:$0x6];
	[sflag:s4] =	ssyncadd.s32 $0xFFFFFF80  }
0xf8: {  	[hbm4b:s8+s2] =	stream.linear.scatter [tilespmem:s17], [sflag:$0x2], $0x1000, $0x38;
	[tilespmem:$0x1100] =	vst v63  }
0xf9: {  	_ =	swait.ge [sflag:s0], $0x1000  }
0xfa: {  	[sflag:s0] =	ssyncset.done $0x0  }
0xfb: {  	s31 =	rddreg [dreg:$0x5];
	[sflag:s0] =	ssyncadd.s32 $0xFFFFF000  }
0xfc: {  	[tilespmem:s2], [sflag:$0x2] =	stream.linear.gather [hbm4b:s31+s2], $0x20, $0x38;
	[tilespmem:$0x1100] =	vst v63  }
0xfd: {  	_ =	swait.ge [sflag:s0], $0x20  }
0xfe: {  	s1 =	rddreg [dreg:$0x8]  }
0xff: {  	[sflag:s0] =	ssyncset.done $0x0;
	s9 =	rddreg [dreg:$0x4]  }
0x100: {  	s10 =	rddreg [dreg:$0x7];
	[sflag:s0] =	ssyncadd.s32 $0xFFFFFFE0  }
0x101: {  	[tilespmem:s1], [sflag:$0x1] =	stream.indirect.gather [hbm4b:s9+s10], $0x1, s2, s10, $0xb8;
	[tilespmem:$0x1100] =	vst v63  }
0x102: {  	_ =	swait.ge [sflag:s4], $0x20  }
0x103: {  	s3 =	sld [smem:$0x7F7]  }
0x104: {  	s5 =	sld [smem:$0x7F6]  }
0x105: {  	s7 =	rddreg [dreg:$0x1f]  }
0x106: {  	s8 =	rddreg [dreg:$0x1e]  }
0x107: {  	[sflag:s4] =	ssyncset.done $0x0;
	s9 =	rddreg [dreg:$0x1d]  }
0x108: {  	s10 =	rddreg [dreg:$0x1c];
	[sflag:s4] =	ssyncadd.s32 $0xFFFFFFE0  }
0x109: {  	s11 =	rddreg [dreg:$0x1b];
	v0 =	vld [tilespmem:$0x80]  }
0x10a: {  	s18 =	rddreg [dreg:$0x17]  }
0x10b: {  	s19 =	rddreg [dreg:$0x16]  }
0x10c: {  	s20 =	rddreg [dreg:$0x15]  }
0x10d: {  	s21 =	rddreg [dreg:$0x14]  }
0x10e: {  	s23 =	rddreg [dreg:$0x13];
	v0 =	vshll.u32 v0, $0x4  }
0x10f: {  	s24 =	rddreg [dreg:$0x12];
	(v2sf) =	vpush v0, $0xE  }
0x110: {  	s26 =	rddreg [dreg:$0x11];
	(v2sf) =	vpush v0, $0x2  }
0x111: {  	s30 =	rddreg [dreg:$0xc];
	(v2sf) =	vpush v0, $0x1  }
0x112: {  	s31 =	rddreg [dreg:$0xb];
	(v2sf) =	vpush v0, $0x3  }
0x113: {  	s1 =	rddreg [dreg:$0x9];
	(v2sf) =	vpush v0, $0x0  }
0x114: {  	s28 =	rddreg [dreg:$0x10];
	(v2sf) =	vpush v0, $0x4  }
0x115: {  	s29 =	rddreg [dreg:$0xf];
	(v2sf) =	vpush v0, $0xF  }
0x116: {  	[smem:$0x7F3] =	sst s7;
	(v2sf) =	vpush v0, $0x5  }
0x117: {  	[smem:$0x7F2] =	sst s8  }
0x118: {  	[smem:$0x7F1] =	sst s9;
	(v2sf) =	vpush v0, $0x6  }
0x119: {  	[smem:$0x7F0] =	sst s10  }
0x11a: {  	[smem:$0x7EF] =	sst s11;
	(v2sf) =	vpush v0, $0x7  }
0x11b: {  	s10 =	rddreg [dreg:$0x1a]  }
0x11c: {  	s9 =	rddreg [dreg:$0x19];
	(v2sf) =	vpush v0, $0x8  }
0x11d: {  	s8 =	rddreg [dreg:$0x18]  }
0x11e: {  	s11 =	rddreg [dreg:$0xe];
	(v2sf) =	vpush v0, $0x9;
	s22 =	spop (v2sf)  }
0x11f: {  	[smem:$0x7F5] =	sst s3;
	s25 =	spop (v2sf)  }
0x120: {  	v1 =	vld [tilespmem:$0x90];
	[smem:$0x7F4] =	sst s5;
	s12 =	spop (v2sf);
	(v2sf) =	vpush v0, $0xA  }
0x121: {  	s3 =	rddreg [dreg:$0xa];
	s13 =	spop (v2sf)  }
0x122: {  	s22 =	sand.u32 $0x1FFFFFF0, s22;
	s0 =	sand.u32 $0x1FFFFFF0, s25;
	s14 =	spop (v2sf);
	(v2sf) =	vpush v0, $0xB  }
0x123: {  	s5 =	sand.u32 $0x1FFFFFF0, s12;
	s0 =	sadd.s32 s6, s0;
	s12 =	spop (v2sf)  }
0x124: {  	s7 =	sand.u32 $0x1FFFFFF0, s13;
	s25 =	sand.u32 $0x1FFFFFF0, s14;
	(v2sf) =	vpush v0, $0xC;
	s15 =	spop (v2sf)  }
0x125: {  	v1 =	vshll.u32 v1, $0x4;
	s13 =	sadd.s32 s6, s25;
	s25 =	sand.u32 $0x1FFFFFF0, s15;
	s15 =	spop (v2sf)  }
0x126: {  	[tilespmem:s17], [sflag:$0x1] =	stream.linear.gather [hbm4b:s13+s2], $0x80, $0x38;
	(v2sf) =	vpush v1, $0x7;
	[tilespmem:$0x1100] =	vst v63  }
0x127: {  	s5 =	sadd.s32 s6, s5;
	s13 =	sand.u32 $0x1FFFFFF0, s15;
	s15 =	spop (v2sf)  }
0x128: {  	(v2sf) =	vpush v1, $0x0;
	[tilespmem:s1], [sflag:$0x1] =	stream.linear.gather [hbm4b:s5+s2], $0x80, $0x38;
	[tilespmem:$0x1100] =	vst v63  }
0x129: {  	s7 =	sadd.s32 s6, s7;
	s1 =	sand.u32 $0x1FFFFFF0, s15;
	s15 =	spop (v2sf);
	(v2sf) =	vpush v0, $0xD  }
0x12a: {  	[tilespmem:s3], [sflag:$0x1] =	stream.linear.gather [hbm4b:s0+s2], $0x80, $0x38;
	[tilespmem:$0x1100] =	vst v63  }
0x12b: {  	s12 =	sand.u32 $0x1FFFFFF0, s12;
	s3 =	sand.u32 $0x1FFFFFF0, s15;
	s15 =	spop (v2sf)  }
0x12c: {  	[tilespmem:s31], [sflag:$0x1] =	stream.linear.gather [hbm4b:s7+s2], $0x80, $0x38;
	[tilespmem:$0x1100] =	vst v63  }
0x12d: {  	s14 =	rddreg [dreg:$0xd];
	(v2sf) =	vpush v1, $0x1;
	s7 =	sadd.s32 s6, s12;
	s12 =	spop (v2sf)  }
0x12e: {  	[tilespmem:s30], [sflag:$0x1] =	stream.linear.gather [hbm4b:s7+s2], $0x80, $0x38;
	[tilespmem:$0x1100] =	vst v63  }
0x12f: {  	s5 =	sand.u32 $0x1FFFFFF0, s15;
	s15 =	sadd.s32 s6, s13;
	(v2sf) =	vpush v1, $0x4;
	s30 =	spop (v2sf)  }
0x130: {  	[tilespmem:s14], [sflag:$0x1] =	stream.linear.gather [hbm4b:s15+s2], $0x80, $0x38;
	[tilespmem:$0x1100] =	vst v63  }
0x131: {  	s31 =	sadd.s32 s6, s1;
	s7 =	sand.u32 $0x1FFFFFF0, s12;
	(v2sf) =	vpush v1, $0x2;
	s13 =	spop (v2sf)  }
0x132: {  	[tilespmem:s11], [sflag:$0x1] =	stream.linear.gather [hbm4b:s31+s2], $0x80, $0x38;
	[tilespmem:$0x1100] =	vst v63  }
0x133: {  	s12 =	sadd.s32 s6, s7;
	s14 =	sadd.s32 s6, s3;
	s15 =	spop (v2sf)  }
0x134: {  	[tilespmem:s29], [sflag:$0x1] =	stream.linear.gather [hbm4b:s14+s2], $0x80, $0x38;
	[tilespmem:$0x1100] =	vst v63  }
0x135: {  	s1 =	sand.u32 $0x1FFFFFF0, s30;
	(v2sf) =	vpush v1, $0x5;
	s29 =	sadd.s32 s6, s5;
	s31 =	spop (v2sf)  }
0x136: {  	[tilespmem:s28], [sflag:$0x1] =	stream.linear.gather [hbm4b:s29+s2], $0x80, $0x38;
	[tilespmem:$0x1100] =	vst v63  }
0x137: {  	s3 =	sand.u32 $0x1FFFFFF0, s13;
	(v2sf) =	vpush v1, $0x3;
	s30 =	sand.u32 $0x1FFFFFF0, s15;
	s13 =	spop (v2sf)  }
0x138: {  	s14 =	sadd.s32 s6, s1;
	s30 =	sadd.s32 s6, s30;
	s15 =	spop (v2sf)  }
0x139: {  	(v2sf) =	vpush v1, $0x8;
	[tilespmem:s26], [sflag:$0x1] =	stream.linear.gather [hbm4b:s12+s2], $0x80, $0x38;
	[tilespmem:$0x1100] =	vst v63  }
0x13a: {  	s28 =	sand.u32 $0x1FFFFFF0, s31;
	s1 =	sand.u32 $0x1FFFFFF0, s13;
	s26 =	sand.u32 $0x1FFFFFF0, s15  }
0x13b: {  	(v2sf) =	vpush v1, $0x6;
	[tilespmem:s24], [sflag:$0x1] =	stream.linear.gather [hbm4b:s14+s2], $0x80, $0x38;
	[tilespmem:$0x1100] =	vst v63  }
0x13c: {  	s15 =	sadd.s32 s6, s22;
	s29 =	spop (v2sf);
	s24 =	sadd.s32 s6, s3  }
0x13d: {  	[tilespmem:s23], [sflag:$0x1] =	stream.linear.gather [hbm4b:s24+s2], $0x80, $0x38;
	[tilespmem:$0x1100] =	vst v63  }
0x13e: {  	s13 =	sadd.s32 s6, s26;
	s31 =	sand.u32 $0x1FFFFFF0, s29;
	s12 =	spop (v2sf)  }
0x13f: {  	[tilespmem:s21], [sflag:$0x1] =	stream.linear.gather [hbm4b:s30+s2], $0x80, $0x38;
	[tilespmem:$0x1100] =	vst v63  }
0x140: {  	s26 =	sadd.s32 s6, s31;
	s3 =	sand.u32 $0x1FFFFFF0, s12;
	s14 =	spop (v2sf)  }
0x141: {  	(v2sf) =	vpush v1, $0x9;
	[tilespmem:s20], [sflag:$0x1] =	stream.linear.gather [hbm4b:s13+s2], $0x80, $0x38;
	[tilespmem:$0x1100] =	vst v63  }
0x142: {  	s23 =	sadd.s32 s6, s1;
	s21 =	sadd.s32 s6, s25;
	s7 =	sand.u32 $0x1FFFFFF0, s14  }
0x143: {  	(v2sf) =	vpush v1, $0xA;
	[tilespmem:s19], [sflag:$0x1] =	stream.linear.gather [hbm4b:s15+s2], $0x80, $0x38;
	[tilespmem:$0x1100] =	vst v63  }
0x144: {  	s14 =	sld [smem:$0x7EF];
	s20 =	spop (v2sf);
	s30 =	sadd.s32 s6, s7  }
0x145: {  	(v2sf) =	vpush v1, $0xB;
	[tilespmem:s18], [sflag:$0x1] =	stream.linear.gather [hbm4b:s21+s2], $0x80, $0x38;
	[tilespmem:$0x1100] =	vst v63  }
0x146: {  	s11 =	sand.u32 $0x1FFFFFF0, s20;
	s22 =	spop (v2sf);
	s15 =	sadd.s32 s6, s3  }
0x147: {  	(v2sf) =	vpush v1, $0xC;
	[tilespmem:s8], [sflag:$0x1] =	stream.linear.gather [hbm4b:s23+s2], $0x80, $0x38;
	[tilespmem:$0x1100] =	vst v63  }
0x148: {  	s19 =	sld [smem:$0x7F0];
	s24 =	sand.u32 $0x1FFFFFF0, s22;
	s25 =	spop (v2sf)  }
0x149: {  	[tilespmem:s9], [sflag:$0x1] =	stream.linear.gather [hbm4b:s26+s2], $0x80, $0x38;
	[tilespmem:$0x1100] =	vst v63  }
0x14a: {  	s20 =	sadd.s32 s6, s11;
	s22 =	sld [smem:$0x7F1];
	s29 =	spop (v2sf)  }
0x14b: {  	(v2sf) =	vpush v1, $0xD;
	[tilespmem:s10], [sflag:$0x1] =	stream.linear.gather [hbm4b:s30+s2], $0x80, $0x38;
	[tilespmem:$0x1100] =	vst v63  }
0x14c: {  	s12 =	sadd.s32 s6, s24;
	s5 =	sand.u32 $0x1FFFFFF0, s25;
	s31 =	sand.u32 $0x1FFFFFF0, s29  }
0x14d: {  	[tilespmem:s14], [sflag:$0x1] =	stream.linear.gather [hbm4b:s12+s2], $0x80, $0x38;
	[tilespmem:$0x1100] =	vst v63  }
0x14e: {  	s29 =	sadd.s32 s6, s28;
	s11 =	sadd.s32 s6, s5;
	s28 =	sld [smem:$0x7FC]  }
0x14f: {  	(v2sf) =	vpush v1, $0xE;
	[tilespmem:s19], [sflag:$0x1] =	stream.linear.gather [hbm4b:s15+s2], $0x80, $0x38;
	[tilespmem:$0x1100] =	vst v63  }
0x150: {  	s23 =	sadd.s32 s6, s31;
	s9 =	spop (v2sf);
	s26 =	sld [smem:$0x7F2]  }
0x151: {  	(v2sf) =	vpush v1, $0xF;
	[tilespmem:s22], [sflag:$0x1] =	stream.linear.gather [hbm4b:s20+s2], $0x80, $0x38;
	[tilespmem:$0x1100] =	vst v63  }
0x152: {  	s31 =	sld [smem:$0x7F3];
	s1 =	sand.u32 $0x1FFFFFF0, s9;
	s13 =	spop (v2sf)  }
0x153: {  	[tilespmem:s26], [sflag:$0x1] =	stream.linear.gather [hbm4b:s23+s2], $0x80, $0x38;
	[tilespmem:$0x1100] =	vst v63  }
0x154: {  	s3 =	sand.u32 $0x1FFFFFF0, s13;
	s18 =	spop (v2sf);
	s14 =	sld [smem:$0x7F4]  }
0x155: {  	[tilespmem:s31], [sflag:$0x1] =	stream.linear.gather [hbm4b:s29+s2], $0x80, $0x38;
	[tilespmem:$0x1100] =	vst v63  }
0x156: {  	s8 =	sand.u32 $0x1FFFFFF0, s18;
	s21 =	spop (v2sf);
	s19 =	sld [smem:$0x7F5]  }
0x157: {  	[tilespmem:s14], [sflag:$0x1] =	stream.linear.gather [hbm4b:s11+s2], $0x80, $0x38;
	[tilespmem:$0x1100] =	vst v63  }
0x158: {  	s18 =	sld [smem:$0x7F8];
	s15 =	sadd.s32 s6, s1;
	s24 =	sand.u32 $0x1FFFFFF0, s21  }
0x159: {  	[tilespmem:s19], [sflag:$0x1] =	stream.linear.gather [hbm4b:s15+s2], $0x80, $0x38;
	[tilespmem:$0x1100] =	vst v63  }
0x15a: {  	s21 =	sld [smem:$0x7F9];
	s25 =	spop (v2sf);
	s20 =	sadd.s32 s6, s3  }
0x15b: {  	[tilespmem:s18], [sflag:$0x1] =	stream.linear.gather [hbm4b:s20+s2], $0x80, $0x38;
	[tilespmem:$0x1100] =	vst v63  }
0x15c: {  	s22 =	sadd.s32 s6, s8;
	s24 =	sadd.s32 s6, s24;
	s23 =	sld [smem:$0x7FA]  }
0x15d: {  	[tilespmem:s21], [sflag:$0x1] =	stream.linear.gather [hbm4b:s22+s2], $0x80, $0x38;
	[tilespmem:$0x1100] =	vst v63  }
0x15e: {  	s9 =	sand.u32 $0x1FFFFFF0, s25;
	s30 =	spop (v2sf);
	s25 =	sld [smem:$0x7FB]  }
0x15f: {  	[tilespmem:s23], [sflag:$0x1] =	stream.linear.gather [hbm4b:s24+s2], $0x80, $0x38;
	[tilespmem:$0x1100] =	vst v63  }
0x160: {  	s12 =	sand.u32 $0x1FFFFFF0, s30;
	s26 =	sadd.s32 s6, s9;
	s13 =	spop (v2sf)  }
0x161: {  	[tilespmem:s25], [sflag:$0x1] =	stream.linear.gather [hbm4b:s26+s2], $0x80, $0x38;
	[tilespmem:$0x1100] =	vst v63  }
0x162: {  	s30 =	sld [smem:$0x7FD];
	s10 =	sand.u32 $0x1FFFFFF0, s13;
	s29 =	sadd.s32 s6, s12  }
0x163: {  	[tilespmem:s28], [sflag:$0x1] =	stream.linear.gather [hbm4b:s29+s2], $0x80, $0x38;
	[tilespmem:$0x1100] =	vst v63  }
0x164: {  	s31 =	sadd.s32 s6, s10  }
0x165: {  	[tilespmem:s30], [sflag:$0x1] =	stream.linear.gather [hbm4b:s31+s2], $0x80, $0x38;
	[tilespmem:$0x1100] =	vst v63  }
0x166: {  	_ =	swait.ge [sflag:s4], $0x80  }
0x167: {  	[sflag:s4] =	ssyncset.done $0x0  }
0x168: {  	[sflag:s4] =	ssyncadd.s32 $0xFFFFFF80  }
0x169: {  	_ =	swait.ge [sflag:s4], $0x80  }
0x16a: {  	[sflag:s4] =	ssyncset.done $0x0  }
0x16b: {  	[sflag:s4] =	ssyncadd.s32 $0xFFFFFF80  }
0x16c: {  	_ =	swait.ge [sflag:s4], $0x80  }
0x16d: {  	[sflag:s4] =	ssyncset.done $0x0  }
0x16e: {  	[sflag:s4] =	ssyncadd.s32 $0xFFFFFF80  }
0x16f: {  	_ =	swait.ge [sflag:s4], $0x80  }
0x170: {  	[sflag:s4] =	ssyncset.done $0x0  }
0x171: {  	[sflag:s4] =	ssyncadd.s32 $0xFFFFFF80  }
0x172: {  	_ =	swait.ge [sflag:s4], $0x80  }
0x173: {  	[sflag:s4] =	ssyncset.done $0x0  }
0x174: {  	[sflag:s4] =	ssyncadd.s32 $0xFFFFFF80  }
0x175: {  	_ =	swait.ge [sflag:s4], $0x80  }
0x176: {  	[sflag:s4] =	ssyncset.done $0x0  }
0x177: {  	[sflag:s4] =	ssyncadd.s32 $0xFFFFFF80  }
0x178: {  	_ =	swait.ge [sflag:s4], $0x80  }
0x179: {  	[sflag:s4] =	ssyncset.done $0x0  }
0x17a: {  	[sflag:s4] =	ssyncadd.s32 $0xFFFFFF80  }
0x17b: {  	_ =	swait.ge [sflag:s4], $0x80  }
0x17c: {  	[sflag:s4] =	ssyncset.done $0x0  }
0x17d: {  	[sflag:s4] =	ssyncadd.s32 $0xFFFFFF80  }
0x17e: {  	_ =	swait.ge [sflag:s4], $0x80  }
0x17f: {  	[sflag:s4] =	ssyncset.done $0x0  }
0x180: {  	[sflag:s4] =	ssyncadd.s32 $0xFFFFFF80  }
0x181: {  	_ =	swait.ge [sflag:s4], $0x80  }
0x182: {  	[sflag:s4] =	ssyncset.done $0x0  }
0x183: {  	[sflag:s4] =	ssyncadd.s32 $0xFFFFFF80  }
0x184: {  	_ =	swait.ge [sflag:s4], $0x80  }
0x185: {  	[sflag:s4] =	ssyncset.done $0x0  }
0x186: {  	[sflag:s4] =	ssyncadd.s32 $0xFFFFFF80  }
0x187: {  	_ =	swait.ge [sflag:s4], $0x80  }
0x188: {  	[sflag:s4] =	ssyncset.done $0x0  }
0x189: {  	[sflag:s4] =	ssyncadd.s32 $0xFFFFFF80  }
0x18a: {  	_ =	swait.ge [sflag:s4], $0x80  }
0x18b: {  	[sflag:s4] =	ssyncset.done $0x0  }
0x18c: {  	[sflag:s4] =	ssyncadd.s32 $0xFFFFFF80  }
0x18d: {  	_ =	swait.ge [sflag:s4], $0x80  }
0x18e: {  	[sflag:s4] =	ssyncset.done $0x0  }
0x18f: {  	[sflag:s4] =	ssyncadd.s32 $0xFFFFFF80  }
0x190: {  	_ =	swait.ge [sflag:s4], $0x80  }
0x191: {  	[sflag:s4] =	ssyncset.done $0x0  }
0x192: {  	[sflag:s4] =	ssyncadd.s32 $0xFFFFFF80  }
0x193: {  	_ =	swait.ge [sflag:s4], $0x80  }
0x194: {  	[sflag:s4] =	ssyncset.done $0x0  }
0x195: {  	[sflag:s4] =	ssyncadd.s32 $0xFFFFFF80  }
0x196: {  	_ =	swait.ge [sflag:s4], $0x80  }
0x197: {  	[sflag:s4] =	ssyncset.done $0x0  }
0x198: {  	[sflag:s4] =	ssyncadd.s32 $0xFFFFFF80  }
0x199: {  	_ =	swait.ge [sflag:s4], $0x80  }
0x19a: {  	[sflag:s4] =	ssyncset.done $0x0  }
0x19b: {  	[sflag:s4] =	ssyncadd.s32 $0xFFFFFF80  }
0x19c: {  	_ =	swait.ge [sflag:s4], $0x80  }
0x19d: {  	[sflag:s4] =	ssyncset.done $0x0  }
0x19e: {  	[sflag:s4] =	ssyncadd.s32 $0xFFFFFF80  }
0x19f: {  	_ =	swait.ge [sflag:s4], $0x80  }
0x1a0: {  	[sflag:s4] =	ssyncset.done $0x0  }
0x1a1: {  	[sflag:s4] =	ssyncadd.s32 $0xFFFFFF80  }
0x1a2: {  	_ =	swait.ge [sflag:s4], $0x80  }
0x1a3: {  	[sflag:s4] =	ssyncset.done $0x0  }
0x1a4: {  	[sflag:s4] =	ssyncadd.s32 $0xFFFFFF80  }
0x1a5: {  	_ =	swait.ge [sflag:s4], $0x80  }
0x1a6: {  	[sflag:s4] =	ssyncset.done $0x0  }
0x1a7: {  	[sflag:s4] =	ssyncadd.s32 $0xFFFFFF80  }
0x1a8: {  	_ =	swait.ge [sflag:s4], $0x80  }
0x1a9: {  	[sflag:s4] =	ssyncset.done $0x0  }
0x1aa: {  	[sflag:s4] =	ssyncadd.s32 $0xFFFFFF80  }
0x1ab: {  	_ =	swait.ge [sflag:s4], $0x80  }
0x1ac: {  	[sflag:s4] =	ssyncset.done $0x0  }
0x1ad: {  	[sflag:s4] =	ssyncadd.s32 $0xFFFFFF80  }
0x1ae: {  	_ =	swait.ge [sflag:s4], $0x80  }
0x1af: {  	[sflag:s4] =	ssyncset.done $0x0  }
0x1b0: {  	[sflag:s4] =	ssyncadd.s32 $0xFFFFFF80  }
0x1b1: {  	_ =	swait.ge [sflag:s4], $0x80  }
0x1b2: {  	[sflag:s4] =	ssyncset.done $0x0  }
0x1b3: {  	[sflag:s4] =	ssyncadd.s32 $0xFFFFFF80  }
0x1b4: {  	_ =	swait.ge [sflag:s4], $0x80  }
0x1b5: {  	[sflag:s4] =	ssyncset.done $0x0  }
0x1b6: {  	[sflag:s4] =	ssyncadd.s32 $0xFFFFFF80  }
0x1b7: {  	_ =	swait.ge [sflag:s4], $0x80  }
0x1b8: {  	[sflag:s4] =	ssyncset.done $0x0  }
0x1b9: {  	p0 =	sne.s32 s16, $0x1;
	[sflag:s4] =	ssyncadd.s32 $0xFFFFFF80  }
.Ltmp1:
0x1ba: {  	_ =	swait.ge [sflag:s4], $0x80;
	(pc) =	sbr.rel @p0 .LBB2_2-.Ltmp1, $4  }
0x1bb: {  	[sflag:s4] =	ssyncset.done $0x0  }
0x1bc: {  	[sflag:s4] =	ssyncadd.s32 $0xFFFFFF80  }
0x1bd: {  	_ =	swait.ge [sflag:s4], $0x80  }
0x1be: {  	s16 =	sadd.s32 $0xFFFFFFFF, s16;
	[sflag:s4] =	ssyncset.done $0x0  }
.LBB2_3:
0x1bf: {  	[sflag:s4] =	ssyncadd.s32 $0xFFFFFF80  }
0x1c0: {  	_ =	swait.ge [sflag:s4], $0x80  }
0x1c1: {  	[sflag:s4] =	ssyncset.done $0x0  }
0x1c2: {  	[sflag:s4] =	ssyncadd.s32 $0xFFFFFF80  }
0x1c3: {  	_ =	swait.ge [sflag:s4], $0x80  }
0x1c4: {  	s1 =	simm.s32 $0x100;
	[sflag:s4] =	ssyncset.done $0x0  }
0x1c5: {  	s30 =	simm.s32 $0x2;
	s0 =	rddreg [dreg:$0x6];
	[sflag:s4] =	ssyncadd.s32 $0xFFFFFF80  }
0x1c6: {  	[hbm4b:s0+s2] =	stream.linear.scatter [tilespmem:s1], [sflag:$0x2], $0x1000, $0x38;
	[tilespmem:$0x1100] =	vst v63  }
0x1c7: {  	_ =	swait.ge [sflag:s30], $0x1000  }
0x1c8: {  	[sflag:s30] =	ssyncset.done $0x0  }
0x1c9: {  	[sflag:s30] =	ssyncadd.s32 $0xFFFFF000  }
0x1ca: {  	_ =	sfence.sel $0x180000  }
0x1cb: {  	[bflag:$0x0] =	sbarrier.arrive $0xFFFF  }
0x1cc: {  	_ =	strace $0x90000047  }
0x1cd: {  	s31 =	stileid.u32;
	[bflag:$0x2] =	sbarrier.arrive $0xFFFF  }
0x1ce: {  	p0 =	sne.s32 s31, $0x0;
	s0 =	rddreg [dreg:$0x3]  }
0x1cf: {  	s0 =	sadd.s32 @!p0 $0x100000, s0  }
0x1d0: {  	[sflag:s0] =	ssyncadd.tile.s32 @!p0 $0x1;
	_ =	shalt  }
.Lfunc_end2:
_tile_overlayer_lowered:
.L_overlay_start_2:
0x1d1: {  	(tag) =	ssettag $0x2  }
0x1d2: {  	s0 =	rddreg [dreg:$0x0];
	s2 =	stileid.u32  }
0x1d3: {  	s1 =	rddreg [dreg:$0x1];
	p0 =	sne.s32 s2, $0x0  }
0x1d4: {  	s3 =	rddreg [dreg:$0x2];
	[bflag:$0x3] =	sbarrier.arrive $0xFFFF;
	s2 =	simm.s32 @!p0 $0x1C02  }
0x1d5: {  	[timem:s3], [sflag:s2] =	dma.local @!p0 [hbm:s0], s1  }
0x1d6: {  	s0 =	simm.s32 @!p0 $0x2  }
0x1d7: {  	_ =	swait.ge @!p0 [sflag:s0], s1  }
0x1d8: {  	s1 =	ssub.s32 @!p0 $0x0, s1;
	[sflag:s0] =	ssyncset.done @!p0 $0x0  }
0x1d9: {  	[sflag:s0] =	ssyncadd.s32 @!p0 s1  }
0x1da: {  	[bflag:$0x3] =	sbarrier.arrive $0xFFFF  }
0x1db: {  	_ =	shalt  }

</sc_bundles>
